<compile_context>
chip_gen: v7x
topology: tpu7x:2x2x1
jax: 0.10.2.dev20260603
libtpu: 0.0.44.dev20260713+nightly
codegen_flags: <defaults>
</compile_context>

<pallas_src>
import functools

import jax
import jax.numpy as jnp
from jax import lax
from jax.experimental import pallas as pl
from jax.experimental.pallas import tpu as pltpu
from jax.experimental.pallas import tpu_sc as plsc

_NUM_ROWS = 64
_ROW_STRIDE = 1024
_D = 512
_CHUNK = 8
_NUM_CHUNKS = _NUM_ROWS // _CHUNK


@functools.partial(
    pl.kernel,
    mesh=plsc.ScalarSubcoreMesh(axis_name="c", num_cores=1),
    out_type=jax.ShapeDtypeStruct((_NUM_ROWS, _D), jnp.float32),
    scratch_types=[
        pltpu.VMEM_SHARED((_NUM_ROWS, _D), jnp.float32),
    ]
    + [pltpu.SemaphoreType.DMA] * _NUM_CHUNKS
    + [pltpu.SemaphoreType.DMA],
)
def _gather_rows(x_hbm, out_hbm, buf, *sems):
    chunk_sems = sems[:_NUM_CHUNKS]
    store_sem = sems[_NUM_CHUNKS]
    for c in range(_NUM_CHUNKS):
        base = c * _CHUNK
        for j in range(_CHUNK):
            pltpu.make_async_copy(
                x_hbm.at[pl.ds((base + j) * _ROW_STRIDE, 1)],
                buf.at[pl.ds(base + j, 1)],
                chunk_sems[c],
            ).start()
    for c in range(_NUM_CHUNKS):
        base = c * _CHUNK
        pltpu.make_async_copy(
            x_hbm.at[pl.ds(0, _CHUNK)],
            buf.at[pl.ds(base, _CHUNK)],
            chunk_sems[c],
        ).wait()
        pltpu.make_async_copy(
            buf.at[pl.ds(base, _CHUNK)],
            out_hbm.at[pl.ds(base, _CHUNK)],
            store_sem,
        ).start()
    pltpu.make_async_copy(x_hbm.at[pl.ds(0, _NUM_ROWS)], out_hbm, store_sem).wait()


def kernel(x):
    return _gather_rows(x)

# --- scband reference (transcript-rebuilt; emitter-appended) ---
"""Pipeline reference for scband-indexer-71536975282613 (READ-ONLY COPY).

The authoritative reference and input builder live on the scoring server;
editing this copy changes nothing except your own understanding.
"""

import jax, jax.numpy as jnp
import numpy as np

# idx is an __init__-time constant of the module (a Python list of row indices).
IDX = jnp.array([i * 1024 for i in range(64)], dtype=jnp.int32)


def setup_inputs(seed: int = 0) -> dict:
    key = jax.random.key(seed)
    x = jax.random.normal(key, (100000, 512), dtype=jnp.float32)
    return {"x": x}


def reference(x):
    # torch: x[self.idx] with idx a list of ints -> advanced indexing gather along axis 0
    return jnp.take(x, IDX, axis=0)

if __name__ == "__main__":
    import jax
    _d = setup_inputs()
    print(jax.jit(kernel)(*tuple(_d.values())))

</pallas_src>

<mosaic_0001>
#map = affine_map<(d0) -> (0, 0)>
module attributes {stable_mosaic.version = 14 : i64} {
  func.func @_gather_rows(%arg0: i32, %arg1: memref<100000x512xf32, #tpu.memory_space<hbm>>, %arg2: memref<64x512xf32, #tpu.memory_space<hbm>>, %arg3: memref<64x512xf32, #tpu.memory_space<vmem_shared>>, %arg4: memref<!tpu.dma_semaphore, #tpu.memory_space<semaphore_mem>>, %arg5: memref<!tpu.dma_semaphore, #tpu.memory_space<semaphore_mem>>, %arg6: memref<!tpu.dma_semaphore, #tpu.memory_space<semaphore_mem>>, %arg7: memref<!tpu.dma_semaphore, #tpu.memory_space<semaphore_mem>>, %arg8: memref<!tpu.dma_semaphore, #tpu.memory_space<semaphore_mem>>, %arg9: memref<!tpu.dma_semaphore, #tpu.memory_space<semaphore_mem>>, %arg10: memref<!tpu.dma_semaphore, #tpu.memory_space<semaphore_mem>>, %arg11: memref<!tpu.dma_semaphore, #tpu.memory_space<semaphore_mem>>, %arg12: memref<!tpu.dma_semaphore, #tpu.memory_space<semaphore_mem>>) attributes {dimension_semantics = [#tpu.dimension_semantics<core_parallel>], iteration_bounds = array<i64: 1>, scalar_prefetch = 0 : i64, scratch_operands = 10 : i64, tpu.core_type = #tpu.core_type<sc_scalar_subcore>, window_params = [{transform_indices = #map}, {transform_indices = #map}]} {
    %dma_start3A = arith.constant 0 : i32
    %dma_start3A_0 = arith.constant 0 : i32
    %dma_start3A_1 = tpu.memref_slice %arg3[%dma_start3A, %dma_start3A_0] : memref<64x512xf32, #tpu.memory_space<vmem_shared>> -> memref<1x512xf32, #tpu.memory_space<vmem_shared>>
    %dma_start3A_2 = arith.constant 0 : i32
    %dma_start3A_3 = arith.constant 0 : i32
    %dma_start3A_4 = tpu.memref_slice %arg1[%dma_start3A_2, %dma_start3A_3] : memref<100000x512xf32, #tpu.memory_space<hbm>> -> memref<1x512xf32, #tpu.memory_space<hbm>>
    tpu.enqueue_dma source(%dma_start3A_4 : memref<1x512xf32, #tpu.memory_space<hbm>>) target(%dma_start3A_1 : memref<1x512xf32, #tpu.memory_space<vmem_shared>>) target_semaphore(%arg4 : memref<!tpu.dma_semaphore, #tpu.memory_space<semaphore_mem>>)
    %dma_start3A_5 = arith.constant 1 : i32
    %dma_start3A_6 = arith.constant 0 : i32
    %dma_start3A_7 = tpu.memref_slice %arg3[%dma_start3A_5, %dma_start3A_6] : memref<64x512xf32, #tpu.memory_space<vmem_shared>> -> memref<1x512xf32, #tpu.memory_space<vmem_shared>>
    %dma_start3A_8 = arith.constant 1024 : i32
    %dma_start3A_9 = arith.constant 0 : i32
    %dma_start3A_10 = tpu.memref_slice %arg1[%dma_start3A_8, %dma_start3A_9] : memref<100000x512xf32, #tpu.memory_space<hbm>> -> memref<1x512xf32, #tpu.memory_space<hbm>>
    tpu.enqueue_dma source(%dma_start3A_10 : memref<1x512xf32, #tpu.memory_space<hbm>>) target(%dma_start3A_7 : memref<1x512xf32, #tpu.memory_space<vmem_shared>>) target_semaphore(%arg4 : memref<!tpu.dma_semaphore, #tpu.memory_space<semaphore_mem>>)
    %dma_start3A_11 = arith.constant 2 : i32
    %dma_start3A_12 = arith.constant 0 : i32
    %dma_start3A_13 = tpu.memref_slice %arg3[%dma_start3A_11, %dma_start3A_12] : memref<64x512xf32, #tpu.memory_space<vmem_shared>> -> memref<1x512xf32, #tpu.memory_space<vmem_shared>>
    %dma_start3A_14 = arith.constant 2048 : i32
    %dma_start3A_15 = arith.constant 0 : i32
    %dma_start3A_16 = tpu.memref_slice %arg1[%dma_start3A_14, %dma_start3A_15] : memref<100000x512xf32, #tpu.memory_space<hbm>> -> memref<1x512xf32, #tpu.memory_space<hbm>>
    tpu.enqueue_dma source(%dma_start3A_16 : memref<1x512xf32, #tpu.memory_space<hbm>>) target(%dma_start3A_13 : memref<1x512xf32, #tpu.memory_space<vmem_shared>>) target_semaphore(%arg4 : memref<!tpu.dma_semaphore, #tpu.memory_space<semaphore_mem>>)
    %dma_start3A_17 = arith.constant 3 : i32
    %dma_start3A_18 = arith.constant 0 : i32
    %dma_start3A_19 = tpu.memref_slice %arg3[%dma_start3A_17, %dma_start3A_18] : memref<64x512xf32, #tpu.memory_space<vmem_shared>> -> memref<1x512xf32, #tpu.memory_space<vmem_shared>>
    %dma_start3A_20 = arith.constant 3072 : i32
    %dma_start3A_21 = arith.constant 0 : i32
    %dma_start3A_22 = tpu.memref_slice %arg1[%dma_start3A_20, %dma_start3A_21] : memref<100000x512xf32, #tpu.memory_space<hbm>> -> memref<1x512xf32, #tpu.memory_space<hbm>>
    tpu.enqueue_dma source(%dma_start3A_22 : memref<1x512xf32, #tpu.memory_space<hbm>>) target(%dma_start3A_19 : memref<1x512xf32, #tpu.memory_space<vmem_shared>>) target_semaphore(%arg4 : memref<!tpu.dma_semaphore, #tpu.memory_space<semaphore_mem>>)
    %dma_start3A_23 = arith.constant 4 : i32
    %dma_start3A_24 = arith.constant 0 : i32
    %dma_start3A_25 = tpu.memref_slice %arg3[%dma_start3A_23, %dma_start3A_24] : memref<64x512xf32, #tpu.memory_space<vmem_shared>> -> memref<1x512xf32, #tpu.memory_space<vmem_shared>>
    %dma_start3A_26 = arith.constant 4096 : i32
    %dma_start3A_27 = arith.constant 0 : i32
    %dma_start3A_28 = tpu.memref_slice %arg1[%dma_start3A_26, %dma_start3A_27] : memref<100000x512xf32, #tpu.memory_space<hbm>> -> memref<1x512xf32, #tpu.memory_space<hbm>>
    tpu.enqueue_dma source(%dma_start3A_28 : memref<1x512xf32, #tpu.memory_space<hbm>>) target(%dma_start3A_25 : memref<1x512xf32, #tpu.memory_space<vmem_shared>>) target_semaphore(%arg4 : memref<!tpu.dma_semaphore, #tpu.memory_space<semaphore_mem>>)
    %dma_start3A_29 = arith.constant 5 : i32
    %dma_start3A_30 = arith.constant 0 : i32
    %dma_start3A_31 = tpu.memref_slice %arg3[%dma_start3A_29, %dma_start3A_30] : memref<64x512xf32, #tpu.memory_space<vmem_shared>> -> memref<1x512xf32, #tpu.memory_space<vmem_shared>>
    %dma_start3A_32 = arith.constant 5120 : i32
    %dma_start3A_33 = arith.constant 0 : i32
    %dma_start3A_34 = tpu.memref_slice %arg1[%dma_start3A_32, %dma_start3A_33] : memref<100000x512xf32, #tpu.memory_space<hbm>> -> memref<1x512xf32, #tpu.memory_space<hbm>>
    tpu.enqueue_dma source(%dma_start3A_34 : memref<1x512xf32, #tpu.memory_space<hbm>>) target(%dma_start3A_31 : memref<1x512xf32, #tpu.memory_space<vmem_shared>>) target_semaphore(%arg4 : memref<!tpu.dma_semaphore, #tpu.memory_space<semaphore_mem>>)
    %dma_start3A_35 = arith.constant 6 : i32
    %dma_start3A_36 = arith.constant 0 : i32
    %dma_start3A_37 = tpu.memref_slice %arg3[%dma_start3A_35, %dma_start3A_36] : memref<64x512xf32, #tpu.memory_space<vmem_shared>> -> memref<1x512xf32, #tpu.memory_space<vmem_shared>>
    %dma_start3A_38 = arith.constant 6144 : i32
    %dma_start3A_39 = arith.constant 0 : i32
    %dma_start3A_40 = tpu.memref_slice %arg1[%dma_start3A_38, %dma_start3A_39] : memref<100000x512xf32, #tpu.memory_space<hbm>> -> memref<1x512xf32, #tpu.memory_space<hbm>>
    tpu.enqueue_dma source(%dma_start3A_40 : memref<1x512xf32, #tpu.memory_space<hbm>>) target(%dma_start3A_37 : memref<1x512xf32, #tpu.memory_space<vmem_shared>>) target_semaphore(%arg4 : memref<!tpu.dma_semaphore, #tpu.memory_space<semaphore_mem>>)
    %dma_start3A_41 = arith.constant 7 : i32
    %dma_start3A_42 = arith.constant 0 : i32
    %dma_start3A_43 = tpu.memref_slice %arg3[%dma_start3A_41, %dma_start3A_42] : memref<64x512xf32, #tpu.memory_space<vmem_shared>> -> memref<1x512xf32, #tpu.memory_space<vmem_shared>>
    %dma_start3A_44 = arith.constant 7168 : i32
    %dma_start3A_45 = arith.constant 0 : i32
    %dma_start3A_46 = tpu.memref_slice %arg1[%dma_start3A_44, %dma_start3A_45] : memref<100000x512xf32, #tpu.memory_space<hbm>> -> memref<1x512xf32, #tpu.memory_space<hbm>>
    tpu.enqueue_dma source(%dma_start3A_46 : memref<1x512xf32, #tpu.memory_space<hbm>>) target(%dma_start3A_43 : memref<1x512xf32, #tpu.memory_space<vmem_shared>>) target_semaphore(%arg4 : memref<!tpu.dma_semaphore, #tpu.memory_space<semaphore_mem>>)
    %dma_start3A_47 = arith.constant 8 : i32
    %dma_start3A_48 = arith.constant 0 : i32
    %dma_start3A_49 = tpu.memref_slice %arg3[%dma_start3A_47, %dma_start3A_48] : memref<64x512xf32, #tpu.memory_space<vmem_shared>> -> memref<1x512xf32, #tpu.memory_space<vmem_shared>>
    %dma_start3A_50 = arith.constant 8192 : i32
    %dma_start3A_51 = arith.constant 0 : i32
    %dma_start3A_52 = tpu.memref_slice %arg1[%dma_start3A_50, %dma_start3A_51] : memref<100000x512xf32, #tpu.memory_space<hbm>> -> memref<1x512xf32, #tpu.memory_space<hbm>>
    tpu.enqueue_dma source(%dma_start3A_52 : memref<1x512xf32, #tpu.memory_space<hbm>>) target(%dma_start3A_49 : memref<1x512xf32, #tpu.memory_space<vmem_shared>>) target_semaphore(%arg5 : memref<!tpu.dma_semaphore, #tpu.memory_space<semaphore_mem>>)
    %dma_start3A_53 = arith.constant 9 : i32
    %dma_start3A_54 = arith.constant 0 : i32
    %dma_start3A_55 = tpu.memref_slice %arg3[%dma_start3A_53, %dma_start3A_54] : memref<64x512xf32, #tpu.memory_space<vmem_shared>> -> memref<1x512xf32, #tpu.memory_space<vmem_shared>>
    %dma_start3A_56 = arith.constant 9216 : i32
    %dma_start3A_57 = arith.constant 0 : i32
    %dma_start3A_58 = tpu.memref_slice %arg1[%dma_start3A_56, %dma_start3A_57] : memref<100000x512xf32, #tpu.memory_space<hbm>> -> memref<1x512xf32, #tpu.memory_space<hbm>>
    tpu.enqueue_dma source(%dma_start3A_58 : memref<1x512xf32, #tpu.memory_space<hbm>>) target(%dma_start3A_55 : memref<1x512xf32, #tpu.memory_space<vmem_shared>>) target_semaphore(%arg5 : memref<!tpu.dma_semaphore, #tpu.memory_space<semaphore_mem>>)
    %dma_start3A_59 = arith.constant 10 : i32
    %dma_start3A_60 = arith.constant 0 : i32
    %dma_start3A_61 = tpu.memref_slice %arg3[%dma_start3A_59, %dma_start3A_60] : memref<64x512xf32, #tpu.memory_space<vmem_shared>> -> memref<1x512xf32, #tpu.memory_space<vmem_shared>>
    %dma_start3A_62 = arith.constant 10240 : i32
    %dma_start3A_63 = arith.constant 0 : i32
    %dma_start3A_64 = tpu.memref_slice %arg1[%dma_start3A_62, %dma_start3A_63] : memref<100000x512xf32, #tpu.memory_space<hbm>> -> memref<1x512xf32, #tpu.memory_space<hbm>>
    tpu.enqueue_dma source(%dma_start3A_64 : memref<1x512xf32, #tpu.memory_space<hbm>>) target(%dma_start3A_61 : memref<1x512xf32, #tpu.memory_space<vmem_shared>>) target_semaphore(%arg5 : memref<!tpu.dma_semaphore, #tpu.memory_space<semaphore_mem>>)
    %dma_start3A_65 = arith.constant 11 : i32
    %dma_start3A_66 = arith.constant 0 : i32
    %dma_start3A_67 = tpu.memref_slice %arg3[%dma_start3A_65, %dma_start3A_66] : memref<64x512xf32, #tpu.memory_space<vmem_shared>> -> memref<1x512xf32, #tpu.memory_space<vmem_shared>>
    %dma_start3A_68 = arith.constant 11264 : i32
    %dma_start3A_69 = arith.constant 0 : i32
    %dma_start3A_70 = tpu.memref_slice %arg1[%dma_start3A_68, %dma_start3A_69] : memref<100000x512xf32, #tpu.memory_space<hbm>> -> memref<1x512xf32, #tpu.memory_space<hbm>>
    tpu.enqueue_dma source(%dma_start3A_70 : memref<1x512xf32, #tpu.memory_space<hbm>>) target(%dma_start3A_67 : memref<1x512xf32, #tpu.memory_space<vmem_shared>>) target_semaphore(%arg5 : memref<!tpu.dma_semaphore, #tpu.memory_space<semaphore_mem>>)
    %dma_start3A_71 = arith.constant 12 : i32
    %dma_start3A_72 = arith.constant 0 : i32
    %dma_start3A_73 = tpu.memref_slice %arg3[%dma_start3A_71, %dma_start3A_72] : memref<64x512xf32, #tpu.memory_space<vmem_shared>> -> memref<1x512xf32, #tpu.memory_space<vmem_shared>>
    %dma_start3A_74 = arith.constant 12288 : i32
    %dma_start3A_75 = arith.constant 0 : i32
    %dma_start3A_76 = tpu.memref_slice %arg1[%dma_start3A_74, %dma_start3A_75] : memref<100000x512xf32, #tpu.memory_space<hbm>> -> memref<1x512xf32, #tpu.memory_space<hbm>>
    tpu.enqueue_dma source(%dma_start3A_76 : memref<1x512xf32, #tpu.memory_space<hbm>>) target(%dma_start3A_73 : memref<1x512xf32, #tpu.memory_space<vmem_shared>>) target_semaphore(%arg5 : memref<!tpu.dma_semaphore, #tpu.memory_space<semaphore_mem>>)
    %dma_start3A_77 = arith.constant 13 : i32
    %dma_start3A_78 = arith.constant 0 : i32
    %dma_start3A_79 = tpu.memref_slice %arg3[%dma_start3A_77, %dma_start3A_78] : memref<64x512xf32, #tpu.memory_space<vmem_shared>> -> memref<1x512xf32, #tpu.memory_space<vmem_shared>>
    %dma_start3A_80 = arith.constant 13312 : i32
    %dma_start3A_81 = arith.constant 0 : i32
    %dma_start3A_82 = tpu.memref_slice %arg1[%dma_start3A_80, %dma_start3A_81] : memref<100000x512xf32, #tpu.memory_space<hbm>> -> memref<1x512xf32, #tpu.memory_space<hbm>>
    tpu.enqueue_dma source(%dma_start3A_82 : memref<1x512xf32, #tpu.memory_space<hbm>>) target(%dma_start3A_79 : memref<1x512xf32, #tpu.memory_space<vmem_shared>>) target_semaphore(%arg5 : memref<!tpu.dma_semaphore, #tpu.memory_space<semaphore_mem>>)
    %dma_start3A_83 = arith.constant 14 : i32
    %dma_start3A_84 = arith.constant 0 : i32
    %dma_start3A_85 = tpu.memref_slice %arg3[%dma_start3A_83, %dma_start3A_84] : memref<64x512xf32, #tpu.memory_space<vmem_shared>> -> memref<1x512xf32, #tpu.memory_space<vmem_shared>>
    %dma_start3A_86 = arith.constant 14336 : i32
    %dma_start3A_87 = arith.constant 0 : i32
    %dma_start3A_88 = tpu.memref_slice %arg1[%dma_start3A_86, %dma_start3A_87] : memref<100000x512xf32, #tpu.memory_space<hbm>> -> memref<1x512xf32, #tpu.memory_space<hbm>>
    tpu.enqueue_dma source(%dma_start3A_88 : memref<1x512xf32, #tpu.memory_space<hbm>>) target(%dma_start3A_85 : memref<1x512xf32, #tpu.memory_space<vmem_shared>>) target_semaphore(%arg5 : memref<!tpu.dma_semaphore, #tpu.memory_space<semaphore_mem>>)
    %dma_start3A_89 = arith.constant 15 : i32
    %dma_start3A_90 = arith.constant 0 : i32
    %dma_start3A_91 = tpu.memref_slice %arg3[%dma_start3A_89, %dma_start3A_90] : memref<64x512xf32, #tpu.memory_space<vmem_shared>> -> memref<1x512xf32, #tpu.memory_space<vmem_shared>>
    %dma_start3A_92 = arith.constant 15360 : i32
    %dma_start3A_93 = arith.constant 0 : i32
    %dma_start3A_94 = tpu.memref_slice %arg1[%dma_start3A_92, %dma_start3A_93] : memref<100000x512xf32, #tpu.memory_space<hbm>> -> memref<1x512xf32, #tpu.memory_space<hbm>>
    tpu.enqueue_dma source(%dma_start3A_94 : memref<1x512xf32, #tpu.memory_space<hbm>>) target(%dma_start3A_91 : memref<1x512xf32, #tpu.memory_space<vmem_shared>>) target_semaphore(%arg5 : memref<!tpu.dma_semaphore, #tpu.memory_space<semaphore_mem>>)
    %dma_start3A_95 = arith.constant 16 : i32
    %dma_start3A_96 = arith.constant 0 : i32
    %dma_start3A_97 = tpu.memref_slice %arg3[%dma_start3A_95, %dma_start3A_96] : memref<64x512xf32, #tpu.memory_space<vmem_shared>> -> memref<1x512xf32, #tpu.memory_space<vmem_shared>>
    %dma_start3A_98 = arith.constant 16384 : i32
    %dma_start3A_99 = arith.constant 0 : i32
    %dma_start3A_100 = tpu.memref_slice %arg1[%dma_start3A_98, %dma_start3A_99] : memref<100000x512xf32, #tpu.memory_space<hbm>> -> memref<1x512xf32, #tpu.memory_space<hbm>>
    tpu.enqueue_dma source(%dma_start3A_100 : memref<1x512xf32, #tpu.memory_space<hbm>>) target(%dma_start3A_97 : memref<1x512xf32, #tpu.memory_space<vmem_shared>>) target_semaphore(%arg6 : memref<!tpu.dma_semaphore, #tpu.memory_space<semaphore_mem>>)
    %dma_start3A_101 = arith.constant 17 : i32
    %dma_start3A_102 = arith.constant 0 : i32
    %dma_start3A_103 = tpu.memref_slice %arg3[%dma_start3A_101, %dma_start3A_102] : memref<64x512xf32, #tpu.memory_space<vmem_shared>> -> memref<1x512xf32, #tpu.memory_space<vmem_shared>>
    %dma_start3A_104 = arith.constant 17408 : i32
    %dma_start3A_105 = arith.constant 0 : i32
    %dma_start3A_106 = tpu.memref_slice %arg1[%dma_start3A_104, %dma_start3A_105] : memref<100000x512xf32, #tpu.memory_space<hbm>> -> memref<1x512xf32, #tpu.memory_space<hbm>>
    tpu.enqueue_dma source(%dma_start3A_106 : memref<1x512xf32, #tpu.memory_space<hbm>>) target(%dma_start3A_103 : memref<1x512xf32, #tpu.memory_space<vmem_shared>>) target_semaphore(%arg6 : memref<!tpu.dma_semaphore, #tpu.memory_space<semaphore_mem>>)
    %dma_start3A_107 = arith.constant 18 : i32
    %dma_start3A_108 = arith.constant 0 : i32
    %dma_start3A_109 = tpu.memref_slice %arg3[%dma_start3A_107, %dma_start3A_108] : memref<64x512xf32, #tpu.memory_space<vmem_shared>> -> memref<1x512xf32, #tpu.memory_space<vmem_shared>>
    %dma_start3A_110 = arith.constant 18432 : i32
    %dma_start3A_111 = arith.constant 0 : i32
    %dma_start3A_112 = tpu.memref_slice %arg1[%dma_start3A_110, %dma_start3A_111] : memref<100000x512xf32, #tpu.memory_space<hbm>> -> memref<1x512xf32, #tpu.memory_space<hbm>>
    tpu.enqueue_dma source(%dma_start3A_112 : memref<1x512xf32, #tpu.memory_space<hbm>>) target(%dma_start3A_109 : memref<1x512xf32, #tpu.memory_space<vmem_shared>>) target_semaphore(%arg6 : memref<!tpu.dma_semaphore, #tpu.memory_space<semaphore_mem>>)
    %dma_start3A_113 = arith.constant 19 : i32
    %dma_start3A_114 = arith.constant 0 : i32
    %dma_start3A_115 = tpu.memref_slice %arg3[%dma_start3A_113, %dma_start3A_114] : memref<64x512xf32, #tpu.memory_space<vmem_shared>> -> memref<1x512xf32, #tpu.memory_space<vmem_shared>>
    %dma_start3A_116 = arith.constant 19456 : i32
    %dma_start3A_117 = arith.constant 0 : i32
    %dma_start3A_118 = tpu.memref_slice %arg1[%dma_start3A_116, %dma_start3A_117] : memref<100000x512xf32, #tpu.memory_space<hbm>> -> memref<1x512xf32, #tpu.memory_space<hbm>>
    tpu.enqueue_dma source(%dma_start3A_118 : memref<1x512xf32, #tpu.memory_space<hbm>>) target(%dma_start3A_115 : memref<1x512xf32, #tpu.memory_space<vmem_shared>>) target_semaphore(%arg6 : memref<!tpu.dma_semaphore, #tpu.memory_space<semaphore_mem>>)
    %dma_start3A_119 = arith.constant 20 : i32
    %dma_start3A_120 = arith.constant 0 : i32
    %dma_start3A_121 = tpu.memref_slice %arg3[%dma_start3A_119, %dma_start3A_120] : memref<64x512xf32, #tpu.memory_space<vmem_shared>> -> memref<1x512xf32, #tpu.memory_space<vmem_shared>>
    %dma_start3A_122 = arith.constant 20480 : i32
    %dma_start3A_123 = arith.constant 0 : i32
    %dma_start3A_124 = tpu.memref_slice %arg1[%dma_start3A_122, %dma_start3A_123] : memref<100000x512xf32, #tpu.memory_space<hbm>> -> memref<1x512xf32, #tpu.memory_space<hbm>>
    tpu.enqueue_dma source(%dma_start3A_124 : memref<1x512xf32, #tpu.memory_space<hbm>>) target(%dma_start3A_121 : memref<1x512xf32, #tpu.memory_space<vmem_shared>>) target_semaphore(%arg6 : memref<!tpu.dma_semaphore, #tpu.memory_space<semaphore_mem>>)
    %dma_start3A_125 = arith.constant 21 : i32
    %dma_start3A_126 = arith.constant 0 : i32
    %dma_start3A_127 = tpu.memref_slice %arg3[%dma_start3A_125, %dma_start3A_126] : memref<64x512xf32, #tpu.memory_space<vmem_shared>> -> memref<1x512xf32, #tpu.memory_space<vmem_shared>>
    %dma_start3A_128 = arith.constant 21504 : i32
    %dma_start3A_129 = arith.constant 0 : i32
    %dma_start3A_130 = tpu.memref_slice %arg1[%dma_start3A_128, %dma_start3A_129] : memref<100000x512xf32, #tpu.memory_space<hbm>> -> memref<1x512xf32, #tpu.memory_space<hbm>>
    tpu.enqueue_dma source(%dma_start3A_130 : memref<1x512xf32, #tpu.memory_space<hbm>>) target(%dma_start3A_127 : memref<1x512xf32, #tpu.memory_space<vmem_shared>>) target_semaphore(%arg6 : memref<!tpu.dma_semaphore, #tpu.memory_space<semaphore_mem>>)
    %dma_start3A_131 = arith.constant 22 : i32
    %dma_start3A_132 = arith.constant 0 : i32
    %dma_start3A_133 = tpu.memref_slice %arg3[%dma_start3A_131, %dma_start3A_132] : memref<64x512xf32, #tpu.memory_space<vmem_shared>> -> memref<1x512xf32, #tpu.memory_space<vmem_shared>>
    %dma_start3A_134 = arith.constant 22528 : i32
    %dma_start3A_135 = arith.constant 0 : i32
    %dma_start3A_136 = tpu.memref_slice %arg1[%dma_start3A_134, %dma_start3A_135] : memref<100000x512xf32, #tpu.memory_space<hbm>> -> memref<1x512xf32, #tpu.memory_space<hbm>>
    tpu.enqueue_dma source(%dma_start3A_136 : memref<1x512xf32, #tpu.memory_space<hbm>>) target(%dma_start3A_133 : memref<1x512xf32, #tpu.memory_space<vmem_shared>>) target_semaphore(%arg6 : memref<!tpu.dma_semaphore, #tpu.memory_space<semaphore_mem>>)
    %dma_start3A_137 = arith.constant 23 : i32
    %dma_start3A_138 = arith.constant 0 : i32
    %dma_start3A_139 = tpu.memref_slice %arg3[%dma_start3A_137, %dma_start3A_138] : memref<64x512xf32, #tpu.memory_space<vmem_shared>> -> memref<1x512xf32, #tpu.memory_space<vmem_shared>>
    %dma_start3A_140 = arith.constant 23552 : i32
    %dma_start3A_141 = arith.constant 0 : i32
    %dma_start3A_142 = tpu.memref_slice %arg1[%dma_start3A_140, %dma_start3A_141] : memref<100000x512xf32, #tpu.memory_space<hbm>> -> memref<1x512xf32, #tpu.memory_space<hbm>>
    tpu.enqueue_dma source(%dma_start3A_142 : memref<1x512xf32, #tpu.memory_space<hbm>>) target(%dma_start3A_139 : memref<1x512xf32, #tpu.memory_space<vmem_shared>>) target_semaphore(%arg6 : memref<!tpu.dma_semaphore, #tpu.memory_space<semaphore_mem>>)
    %dma_start3A_143 = arith.constant 24 : i32
    %dma_start3A_144 = arith.constant 0 : i32
    %dma_start3A_145 = tpu.memref_slice %arg3[%dma_start3A_143, %dma_start3A_144] : memref<64x512xf32, #tpu.memory_space<vmem_shared>> -> memref<1x512xf32, #tpu.memory_space<vmem_shared>>
    %dma_start3A_146 = arith.constant 24576 : i32
    %dma_start3A_147 = arith.constant 0 : i32
    %dma_start3A_148 = tpu.memref_slice %arg1[%dma_start3A_146, %dma_start3A_147] : memref<100000x512xf32, #tpu.memory_space<hbm>> -> memref<1x512xf32, #tpu.memory_space<hbm>>
    tpu.enqueue_dma source(%dma_start3A_148 : memref<1x512xf32, #tpu.memory_space<hbm>>) target(%dma_start3A_145 : memref<1x512xf32, #tpu.memory_space<vmem_shared>>) target_semaphore(%arg7 : memref<!tpu.dma_semaphore, #tpu.memory_space<semaphore_mem>>)
    %dma_start3A_149 = arith.constant 25 : i32
    %dma_start3A_150 = arith.constant 0 : i32
    %dma_start3A_151 = tpu.memref_slice %arg3[%dma_start3A_149, %dma_start3A_150] : memref<64x512xf32, #tpu.memory_space<vmem_shared>> -> memref<1x512xf32, #tpu.memory_space<vmem_shared>>
    %dma_start3A_152 = arith.constant 25600 : i32
    %dma_start3A_153 = arith.constant 0 : i32
    %dma_start3A_154 = tpu.memref_slice %arg1[%dma_start3A_152, %dma_start3A_153] : memref<100000x512xf32, #tpu.memory_space<hbm>> -> memref<1x512xf32, #tpu.memory_space<hbm>>
    tpu.enqueue_dma source(%dma_start3A_154 : memref<1x512xf32, #tpu.memory_space<hbm>>) target(%dma_start3A_151 : memref<1x512xf32, #tpu.memory_space<vmem_shared>>) target_semaphore(%arg7 : memref<!tpu.dma_semaphore, #tpu.memory_space<semaphore_mem>>)
    %dma_start3A_155 = arith.constant 26 : i32
    %dma_start3A_156 = arith.constant 0 : i32
    %dma_start3A_157 = tpu.memref_slice %arg3[%dma_start3A_155, %dma_start3A_156] : memref<64x512xf32, #tpu.memory_space<vmem_shared>> -> memref<1x512xf32, #tpu.memory_space<vmem_shared>>
    %dma_start3A_158 = arith.constant 26624 : i32
    %dma_start3A_159 = arith.constant 0 : i32
    %dma_start3A_160 = tpu.memref_slice %arg1[%dma_start3A_158, %dma_start3A_159] : memref<100000x512xf32, #tpu.memory_space<hbm>> -> memref<1x512xf32, #tpu.memory_space<hbm>>
    tpu.enqueue_dma source(%dma_start3A_160 : memref<1x512xf32, #tpu.memory_space<hbm>>) target(%dma_start3A_157 : memref<1x512xf32, #tpu.memory_space<vmem_shared>>) target_semaphore(%arg7 : memref<!tpu.dma_semaphore, #tpu.memory_space<semaphore_mem>>)
    %dma_start3A_161 = arith.constant 27 : i32
    %dma_start3A_162 = arith.constant 0 : i32
    %dma_start3A_163 = tpu.memref_slice %arg3[%dma_start3A_161, %dma_start3A_162] : memref<64x512xf32, #tpu.memory_space<vmem_shared>> -> memref<1x512xf32, #tpu.memory_space<vmem_shared>>
    %dma_start3A_164 = arith.constant 27648 : i32
    %dma_start3A_165 = arith.constant 0 : i32
    %dma_start3A_166 = tpu.memref_slice %arg1[%dma_start3A_164, %dma_start3A_165] : memref<100000x512xf32, #tpu.memory_space<hbm>> -> memref<1x512xf32, #tpu.memory_space<hbm>>
    tpu.enqueue_dma source(%dma_start3A_166 : memref<1x512xf32, #tpu.memory_space<hbm>>) target(%dma_start3A_163 : memref<1x512xf32, #tpu.memory_space<vmem_shared>>) target_semaphore(%arg7 : memref<!tpu.dma_semaphore, #tpu.memory_space<semaphore_mem>>)
    %dma_start3A_167 = arith.constant 28 : i32
    %dma_start3A_168 = arith.constant 0 : i32
    %dma_start3A_169 = tpu.memref_slice %arg3[%dma_start3A_167, %dma_start3A_168] : memref<64x512xf32, #tpu.memory_space<vmem_shared>> -> memref<1x512xf32, #tpu.memory_space<vmem_shared>>
    %dma_start3A_170 = arith.constant 28672 : i32
    %dma_start3A_171 = arith.constant 0 : i32
    %dma_start3A_172 = tpu.memref_slice %arg1[%dma_start3A_170, %dma_start3A_171] : memref<100000x512xf32, #tpu.memory_space<hbm>> -> memref<1x512xf32, #tpu.memory_space<hbm>>
    tpu.enqueue_dma source(%dma_start3A_172 : memref<1x512xf32, #tpu.memory_space<hbm>>) target(%dma_start3A_169 : memref<1x512xf32, #tpu.memory_space<vmem_shared>>) target_semaphore(%arg7 : memref<!tpu.dma_semaphore, #tpu.memory_space<semaphore_mem>>)
    %dma_start3A_173 = arith.constant 29 : i32
    %dma_start3A_174 = arith.constant 0 : i32
    %dma_start3A_175 = tpu.memref_slice %arg3[%dma_start3A_173, %dma_start3A_174] : memref<64x512xf32, #tpu.memory_space<vmem_shared>> -> memref<1x512xf32, #tpu.memory_space<vmem_shared>>
    %dma_start3A_176 = arith.constant 29696 : i32
    %dma_start3A_177 = arith.constant 0 : i32
    %dma_start3A_178 = tpu.memref_slice %arg1[%dma_start3A_176, %dma_start3A_177] : memref<100000x512xf32, #tpu.memory_space<hbm>> -> memref<1x512xf32, #tpu.memory_space<hbm>>
    tpu.enqueue_dma source(%dma_start3A_178 : memref<1x512xf32, #tpu.memory_space<hbm>>) target(%dma_start3A_175 : memref<1x512xf32, #tpu.memory_space<vmem_shared>>) target_semaphore(%arg7 : memref<!tpu.dma_semaphore, #tpu.memory_space<semaphore_mem>>)
    %dma_start3A_179 = arith.constant 30 : i32
    %dma_start3A_180 = arith.constant 0 : i32
    %dma_start3A_181 = tpu.memref_slice %arg3[%dma_start3A_179, %dma_start3A_180] : memref<64x512xf32, #tpu.memory_space<vmem_shared>> -> memref<1x512xf32, #tpu.memory_space<vmem_shared>>
    %dma_start3A_182 = arith.constant 30720 : i32
    %dma_start3A_183 = arith.constant 0 : i32
    %dma_start3A_184 = tpu.memref_slice %arg1[%dma_start3A_182, %dma_start3A_183] : memref<100000x512xf32, #tpu.memory_space<hbm>> -> memref<1x512xf32, #tpu.memory_space<hbm>>
    tpu.enqueue_dma source(%dma_start3A_184 : memref<1x512xf32, #tpu.memory_space<hbm>>) target(%dma_start3A_181 : memref<1x512xf32, #tpu.memory_space<vmem_shared>>) target_semaphore(%arg7 : memref<!tpu.dma_semaphore, #tpu.memory_space<semaphore_mem>>)
    %dma_start3A_185 = arith.constant 31 : i32
    %dma_start3A_186 = arith.constant 0 : i32
    %dma_start3A_187 = tpu.memref_slice %arg3[%dma_start3A_185, %dma_start3A_186] : memref<64x512xf32, #tpu.memory_space<vmem_shared>> -> memref<1x512xf32, #tpu.memory_space<vmem_shared>>
    %dma_start3A_188 = arith.constant 31744 : i32
    %dma_start3A_189 = arith.constant 0 : i32
    %dma_start3A_190 = tpu.memref_slice %arg1[%dma_start3A_188, %dma_start3A_189] : memref<100000x512xf32, #tpu.memory_space<hbm>> -> memref<1x512xf32, #tpu.memory_space<hbm>>
    tpu.enqueue_dma source(%dma_start3A_190 : memref<1x512xf32, #tpu.memory_space<hbm>>) target(%dma_start3A_187 : memref<1x512xf32, #tpu.memory_space<vmem_shared>>) target_semaphore(%arg7 : memref<!tpu.dma_semaphore, #tpu.memory_space<semaphore_mem>>)
    %dma_start3A_191 = arith.constant 32 : i32
    %dma_start3A_192 = arith.constant 0 : i32
    %dma_start3A_193 = tpu.memref_slice %arg3[%dma_start3A_191, %dma_start3A_192] : memref<64x512xf32, #tpu.memory_space<vmem_shared>> -> memref<1x512xf32, #tpu.memory_space<vmem_shared>>
    %dma_start3A_194 = arith.constant 32768 : i32
    %dma_start3A_195 = arith.constant 0 : i32
    %dma_start3A_196 = tpu.memref_slice %arg1[%dma_start3A_194, %dma_start3A_195] : memref<100000x512xf32, #tpu.memory_space<hbm>> -> memref<1x512xf32, #tpu.memory_space<hbm>>
    tpu.enqueue_dma source(%dma_start3A_196 : memref<1x512xf32, #tpu.memory_space<hbm>>) target(%dma_start3A_193 : memref<1x512xf32, #tpu.memory_space<vmem_shared>>) target_semaphore(%arg8 : memref<!tpu.dma_semaphore, #tpu.memory_space<semaphore_mem>>)
    %dma_start3A_197 = arith.constant 33 : i32
    %dma_start3A_198 = arith.constant 0 : i32
    %dma_start3A_199 = tpu.memref_slice %arg3[%dma_start3A_197, %dma_start3A_198] : memref<64x512xf32, #tpu.memory_space<vmem_shared>> -> memref<1x512xf32, #tpu.memory_space<vmem_shared>>
    %dma_start3A_200 = arith.constant 33792 : i32
    %dma_start3A_201 = arith.constant 0 : i32
    %dma_start3A_202 = tpu.memref_slice %arg1[%dma_start3A_200, %dma_start3A_201] : memref<100000x512xf32, #tpu.memory_space<hbm>> -> memref<1x512xf32, #tpu.memory_space<hbm>>
    tpu.enqueue_dma source(%dma_start3A_202 : memref<1x512xf32, #tpu.memory_space<hbm>>) target(%dma_start3A_199 : memref<1x512xf32, #tpu.memory_space<vmem_shared>>) target_semaphore(%arg8 : memref<!tpu.dma_semaphore, #tpu.memory_space<semaphore_mem>>)
    %dma_start3A_203 = arith.constant 34 : i32
    %dma_start3A_204 = arith.constant 0 : i32
    %dma_start3A_205 = tpu.memref_slice %arg3[%dma_start3A_203, %dma_start3A_204] : memref<64x512xf32, #tpu.memory_space<vmem_shared>> -> memref<1x512xf32, #tpu.memory_space<vmem_shared>>
    %dma_start3A_206 = arith.constant 34816 : i32
    %dma_start3A_207 = arith.constant 0 : i32
    %dma_start3A_208 = tpu.memref_slice %arg1[%dma_start3A_206, %dma_start3A_207] : memref<100000x512xf32, #tpu.memory_space<hbm>> -> memref<1x512xf32, #tpu.memory_space<hbm>>
    tpu.enqueue_dma source(%dma_start3A_208 : memref<1x512xf32, #tpu.memory_space<hbm>>) target(%dma_start3A_205 : memref<1x512xf32, #tpu.memory_space<vmem_shared>>) target_semaphore(%arg8 : memref<!tpu.dma_semaphore, #tpu.memory_space<semaphore_mem>>)
    %dma_start3A_209 = arith.constant 35 : i32
    %dma_start3A_210 = arith.constant 0 : i32
    %dma_start3A_211 = tpu.memref_slice %arg3[%dma_start3A_209, %dma_start3A_210] : memref<64x512xf32, #tpu.memory_space<vmem_shared>> -> memref<1x512xf32, #tpu.memory_space<vmem_shared>>
    %dma_start3A_212 = arith.constant 35840 : i32
    %dma_start3A_213 = arith.constant 0 : i32
    %dma_start3A_214 = tpu.memref_slice %arg1[%dma_start3A_212, %dma_start3A_213] : memref<100000x512xf32, #tpu.memory_space<hbm>> -> memref<1x512xf32, #tpu.memory_space<hbm>>
    tpu.enqueue_dma source(%dma_start3A_214 : memref<1x512xf32, #tpu.memory_space<hbm>>) target(%dma_start3A_211 : memref<1x512xf32, #tpu.memory_space<vmem_shared>>) target_semaphore(%arg8 : memref<!tpu.dma_semaphore, #tpu.memory_space<semaphore_mem>>)
    %dma_start3A_215 = arith.constant 36 : i32
    %dma_start3A_216 = arith.constant 0 : i32
    %dma_start3A_217 = tpu.memref_slice %arg3[%dma_start3A_215, %dma_start3A_216] : memref<64x512xf32, #tpu.memory_space<vmem_shared>> -> memref<1x512xf32, #tpu.memory_space<vmem_shared>>
    %dma_start3A_218 = arith.constant 36864 : i32
    %dma_start3A_219 = arith.constant 0 : i32
    %dma_start3A_220 = tpu.memref_slice %arg1[%dma_start3A_218, %dma_start3A_219] : memref<100000x512xf32, #tpu.memory_space<hbm>> -> memref<1x512xf32, #tpu.memory_space<hbm>>
    tpu.enqueue_dma source(%dma_start3A_220 : memref<1x512xf32, #tpu.memory_space<hbm>>) target(%dma_start3A_217 : memref<1x512xf32, #tpu.memory_space<vmem_shared>>) target_semaphore(%arg8 : memref<!tpu.dma_semaphore, #tpu.memory_space<semaphore_mem>>)
    %dma_start3A_221 = arith.constant 37 : i32
    %dma_start3A_222 = arith.constant 0 : i32
    %dma_start3A_223 = tpu.memref_slice %arg3[%dma_start3A_221, %dma_start3A_222] : memref<64x512xf32, #tpu.memory_space<vmem_shared>> -> memref<1x512xf32, #tpu.memory_space<vmem_shared>>
    %dma_start3A_224 = arith.constant 37888 : i32
    %dma_start3A_225 = arith.constant 0 : i32
    %dma_start3A_226 = tpu.memref_slice %arg1[%dma_start3A_224, %dma_start3A_225] : memref<100000x512xf32, #tpu.memory_space<hbm>> -> memref<1x512xf32, #tpu.memory_space<hbm>>
    tpu.enqueue_dma source(%dma_start3A_226 : memref<1x512xf32, #tpu.memory_space<hbm>>) target(%dma_start3A_223 : memref<1x512xf32, #tpu.memory_space<vmem_shared>>) target_semaphore(%arg8 : memref<!tpu.dma_semaphore, #tpu.memory_space<semaphore_mem>>)
    %dma_start3A_227 = arith.constant 38 : i32
    %dma_start3A_228 = arith.constant 0 : i32
    %dma_start3A_229 = tpu.memref_slice %arg3[%dma_start3A_227, %dma_start3A_228] : memref<64x512xf32, #tpu.memory_space<vmem_shared>> -> memref<1x512xf32, #tpu.memory_space<vmem_shared>>
    %dma_start3A_230 = arith.constant 38912 : i32
    %dma_start3A_231 = arith.constant 0 : i32
    %dma_start3A_232 = tpu.memref_slice %arg1[%dma_start3A_230, %dma_start3A_231] : memref<100000x512xf32, #tpu.memory_space<hbm>> -> memref<1x512xf32, #tpu.memory_space<hbm>>
    tpu.enqueue_dma source(%dma_start3A_232 : memref<1x512xf32, #tpu.memory_space<hbm>>) target(%dma_start3A_229 : memref<1x512xf32, #tpu.memory_space<vmem_shared>>) target_semaphore(%arg8 : memref<!tpu.dma_semaphore, #tpu.memory_space<semaphore_mem>>)
    %dma_start3A_233 = arith.constant 39 : i32
    %dma_start3A_234 = arith.constant 0 : i32
    %dma_start3A_235 = tpu.memref_slice %arg3[%dma_start3A_233, %dma_start3A_234] : memref<64x512xf32, #tpu.memory_space<vmem_shared>> -> memref<1x512xf32, #tpu.memory_space<vmem_shared>>
    %dma_start3A_236 = arith.constant 39936 : i32
    %dma_start3A_237 = arith.constant 0 : i32
    %dma_start3A_238 = tpu.memref_slice %arg1[%dma_start3A_236, %dma_start3A_237] : memref<100000x512xf32, #tpu.memory_space<hbm>> -> memref<1x512xf32, #tpu.memory_space<hbm>>
    tpu.enqueue_dma source(%dma_start3A_238 : memref<1x512xf32, #tpu.memory_space<hbm>>) target(%dma_start3A_235 : memref<1x512xf32, #tpu.memory_space<vmem_shared>>) target_semaphore(%arg8 : memref<!tpu.dma_semaphore, #tpu.memory_space<semaphore_mem>>)
    %dma_start3A_239 = arith.constant 40 : i32
    %dma_start3A_240 = arith.constant 0 : i32
    %dma_start3A_241 = tpu.memref_slice %arg3[%dma_start3A_239, %dma_start3A_240] : memref<64x512xf32, #tpu.memory_space<vmem_shared>> -> memref<1x512xf32, #tpu.memory_space<vmem_shared>>
    %dma_start3A_242 = arith.constant 40960 : i32
    %dma_start3A_243 = arith.constant 0 : i32
    %dma_start3A_244 = tpu.memref_slice %arg1[%dma_start3A_242, %dma_start3A_243] : memref<100000x512xf32, #tpu.memory_space<hbm>> -> memref<1x512xf32, #tpu.memory_space<hbm>>
    tpu.enqueue_dma source(%dma_start3A_244 : memref<1x512xf32, #tpu.memory_space<hbm>>) target(%dma_start3A_241 : memref<1x512xf32, #tpu.memory_space<vmem_shared>>) target_semaphore(%arg9 : memref<!tpu.dma_semaphore, #tpu.memory_space<semaphore_mem>>)
    %dma_start3A_245 = arith.constant 41 : i32
    %dma_start3A_246 = arith.constant 0 : i32
    %dma_start3A_247 = tpu.memref_slice %arg3[%dma_start3A_245, %dma_start3A_246] : memref<64x512xf32, #tpu.memory_space<vmem_shared>> -> memref<1x512xf32, #tpu.memory_space<vmem_shared>>
    %dma_start3A_248 = arith.constant 41984 : i32
    %dma_start3A_249 = arith.constant 0 : i32
    %dma_start3A_250 = tpu.memref_slice %arg1[%dma_start3A_248, %dma_start3A_249] : memref<100000x512xf32, #tpu.memory_space<hbm>> -> memref<1x512xf32, #tpu.memory_space<hbm>>
    tpu.enqueue_dma source(%dma_start3A_250 : memref<1x512xf32, #tpu.memory_space<hbm>>) target(%dma_start3A_247 : memref<1x512xf32, #tpu.memory_space<vmem_shared>>) target_semaphore(%arg9 : memref<!tpu.dma_semaphore, #tpu.memory_space<semaphore_mem>>)
    %dma_start3A_251 = arith.constant 42 : i32
    %dma_start3A_252 = arith.constant 0 : i32
    %dma_start3A_253 = tpu.memref_slice %arg3[%dma_start3A_251, %dma_start3A_252] : memref<64x512xf32, #tpu.memory_space<vmem_shared>> -> memref<1x512xf32, #tpu.memory_space<vmem_shared>>
    %dma_start3A_254 = arith.constant 43008 : i32
    %dma_start3A_255 = arith.constant 0 : i32
    %dma_start3A_256 = tpu.memref_slice %arg1[%dma_start3A_254, %dma_start3A_255] : memref<100000x512xf32, #tpu.memory_space<hbm>> -> memref<1x512xf32, #tpu.memory_space<hbm>>
    tpu.enqueue_dma source(%dma_start3A_256 : memref<1x512xf32, #tpu.memory_space<hbm>>) target(%dma_start3A_253 : memref<1x512xf32, #tpu.memory_space<vmem_shared>>) target_semaphore(%arg9 : memref<!tpu.dma_semaphore, #tpu.memory_space<semaphore_mem>>)
    %dma_start3A_257 = arith.constant 43 : i32
    %dma_start3A_258 = arith.constant 0 : i32
    %dma_start3A_259 = tpu.memref_slice %arg3[%dma_start3A_257, %dma_start3A_258] : memref<64x512xf32, #tpu.memory_space<vmem_shared>> -> memref<1x512xf32, #tpu.memory_space<vmem_shared>>
    %dma_start3A_260 = arith.constant 44032 : i32
    %dma_start3A_261 = arith.constant 0 : i32
    %dma_start3A_262 = tpu.memref_slice %arg1[%dma_start3A_260, %dma_start3A_261] : memref<100000x512xf32, #tpu.memory_space<hbm>> -> memref<1x512xf32, #tpu.memory_space<hbm>>
    tpu.enqueue_dma source(%dma_start3A_262 : memref<1x512xf32, #tpu.memory_space<hbm>>) target(%dma_start3A_259 : memref<1x512xf32, #tpu.memory_space<vmem_shared>>) target_semaphore(%arg9 : memref<!tpu.dma_semaphore, #tpu.memory_space<semaphore_mem>>)
    %dma_start3A_263 = arith.constant 44 : i32
    %dma_start3A_264 = arith.constant 0 : i32
    %dma_start3A_265 = tpu.memref_slice %arg3[%dma_start3A_263, %dma_start3A_264] : memref<64x512xf32, #tpu.memory_space<vmem_shared>> -> memref<1x512xf32, #tpu.memory_space<vmem_shared>>
    %dma_start3A_266 = arith.constant 45056 : i32
    %dma_start3A_267 = arith.constant 0 : i32
    %dma_start3A_268 = tpu.memref_slice %arg1[%dma_start3A_266, %dma_start3A_267] : memref<100000x512xf32, #tpu.memory_space<hbm>> -> memref<1x512xf32, #tpu.memory_space<hbm>>
    tpu.enqueue_dma source(%dma_start3A_268 : memref<1x512xf32, #tpu.memory_space<hbm>>) target(%dma_start3A_265 : memref<1x512xf32, #tpu.memory_space<vmem_shared>>) target_semaphore(%arg9 : memref<!tpu.dma_semaphore, #tpu.memory_space<semaphore_mem>>)
    %dma_start3A_269 = arith.constant 45 : i32
    %dma_start3A_270 = arith.constant 0 : i32
    %dma_start3A_271 = tpu.memref_slice %arg3[%dma_start3A_269, %dma_start3A_270] : memref<64x512xf32, #tpu.memory_space<vmem_shared>> -> memref<1x512xf32, #tpu.memory_space<vmem_shared>>
    %dma_start3A_272 = arith.constant 46080 : i32
    %dma_start3A_273 = arith.constant 0 : i32
    %dma_start3A_274 = tpu.memref_slice %arg1[%dma_start3A_272, %dma_start3A_273] : memref<100000x512xf32, #tpu.memory_space<hbm>> -> memref<1x512xf32, #tpu.memory_space<hbm>>
    tpu.enqueue_dma source(%dma_start3A_274 : memref<1x512xf32, #tpu.memory_space<hbm>>) target(%dma_start3A_271 : memref<1x512xf32, #tpu.memory_space<vmem_shared>>) target_semaphore(%arg9 : memref<!tpu.dma_semaphore, #tpu.memory_space<semaphore_mem>>)
    %dma_start3A_275 = arith.constant 46 : i32
    %dma_start3A_276 = arith.constant 0 : i32
    %dma_start3A_277 = tpu.memref_slice %arg3[%dma_start3A_275, %dma_start3A_276] : memref<64x512xf32, #tpu.memory_space<vmem_shared>> -> memref<1x512xf32, #tpu.memory_space<vmem_shared>>
    %dma_start3A_278 = arith.constant 47104 : i32
    %dma_start3A_279 = arith.constant 0 : i32
    %dma_start3A_280 = tpu.memref_slice %arg1[%dma_start3A_278, %dma_start3A_279] : memref<100000x512xf32, #tpu.memory_space<hbm>> -> memref<1x512xf32, #tpu.memory_space<hbm>>
    tpu.enqueue_dma source(%dma_start3A_280 : memref<1x512xf32, #tpu.memory_space<hbm>>) target(%dma_start3A_277 : memref<1x512xf32, #tpu.memory_space<vmem_shared>>) target_semaphore(%arg9 : memref<!tpu.dma_semaphore, #tpu.memory_space<semaphore_mem>>)
    %dma_start3A_281 = arith.constant 47 : i32
    %dma_start3A_282 = arith.constant 0 : i32
    %dma_start3A_283 = tpu.memref_slice %arg3[%dma_start3A_281, %dma_start3A_282] : memref<64x512xf32, #tpu.memory_space<vmem_shared>> -> memref<1x512xf32, #tpu.memory_space<vmem_shared>>
    %dma_start3A_284 = arith.constant 48128 : i32
    %dma_start3A_285 = arith.constant 0 : i32
    %dma_start3A_286 = tpu.memref_slice %arg1[%dma_start3A_284, %dma_start3A_285] : memref<100000x512xf32, #tpu.memory_space<hbm>> -> memref<1x512xf32, #tpu.memory_space<hbm>>
    tpu.enqueue_dma source(%dma_start3A_286 : memref<1x512xf32, #tpu.memory_space<hbm>>) target(%dma_start3A_283 : memref<1x512xf32, #tpu.memory_space<vmem_shared>>) target_semaphore(%arg9 : memref<!tpu.dma_semaphore, #tpu.memory_space<semaphore_mem>>)
    %dma_start3A_287 = arith.constant 48 : i32
    %dma_start3A_288 = arith.constant 0 : i32
    %dma_start3A_289 = tpu.memref_slice %arg3[%dma_start3A_287, %dma_start3A_288] : memref<64x512xf32, #tpu.memory_space<vmem_shared>> -> memref<1x512xf32, #tpu.memory_space<vmem_shared>>
    %dma_start3A_290 = arith.constant 49152 : i32
    %dma_start3A_291 = arith.constant 0 : i32
    %dma_start3A_292 = tpu.memref_slice %arg1[%dma_start3A_290, %dma_start3A_291] : memref<100000x512xf32, #tpu.memory_space<hbm>> -> memref<1x512xf32, #tpu.memory_space<hbm>>
    tpu.enqueue_dma source(%dma_start3A_292 : memref<1x512xf32, #tpu.memory_space<hbm>>) target(%dma_start3A_289 : memref<1x512xf32, #tpu.memory_space<vmem_shared>>) target_semaphore(%arg10 : memref<!tpu.dma_semaphore, #tpu.memory_space<semaphore_mem>>)
    %dma_start3A_293 = arith.constant 49 : i32
    %dma_start3A_294 = arith.constant 0 : i32
    %dma_start3A_295 = tpu.memref_slice %arg3[%dma_start3A_293, %dma_start3A_294] : memref<64x512xf32, #tpu.memory_space<vmem_shared>> -> memref<1x512xf32, #tpu.memory_space<vmem_shared>>
    %dma_start3A_296 = arith.constant 50176 : i32
    %dma_start3A_297 = arith.constant 0 : i32
    %dma_start3A_298 = tpu.memref_slice %arg1[%dma_start3A_296, %dma_start3A_297] : memref<100000x512xf32, #tpu.memory_space<hbm>> -> memref<1x512xf32, #tpu.memory_space<hbm>>
    tpu.enqueue_dma source(%dma_start3A_298 : memref<1x512xf32, #tpu.memory_space<hbm>>) target(%dma_start3A_295 : memref<1x512xf32, #tpu.memory_space<vmem_shared>>) target_semaphore(%arg10 : memref<!tpu.dma_semaphore, #tpu.memory_space<semaphore_mem>>)
    %dma_start3A_299 = arith.constant 50 : i32
    %dma_start3A_300 = arith.constant 0 : i32
    %dma_start3A_301 = tpu.memref_slice %arg3[%dma_start3A_299, %dma_start3A_300] : memref<64x512xf32, #tpu.memory_space<vmem_shared>> -> memref<1x512xf32, #tpu.memory_space<vmem_shared>>
    %dma_start3A_302 = arith.constant 51200 : i32
    %dma_start3A_303 = arith.constant 0 : i32
    %dma_start3A_304 = tpu.memref_slice %arg1[%dma_start3A_302, %dma_start3A_303] : memref<100000x512xf32, #tpu.memory_space<hbm>> -> memref<1x512xf32, #tpu.memory_space<hbm>>
    tpu.enqueue_dma source(%dma_start3A_304 : memref<1x512xf32, #tpu.memory_space<hbm>>) target(%dma_start3A_301 : memref<1x512xf32, #tpu.memory_space<vmem_shared>>) target_semaphore(%arg10 : memref<!tpu.dma_semaphore, #tpu.memory_space<semaphore_mem>>)
    %dma_start3A_305 = arith.constant 51 : i32
    %dma_start3A_306 = arith.constant 0 : i32
    %dma_start3A_307 = tpu.memref_slice %arg3[%dma_start3A_305, %dma_start3A_306] : memref<64x512xf32, #tpu.memory_space<vmem_shared>> -> memref<1x512xf32, #tpu.memory_space<vmem_shared>>
    %dma_start3A_308 = arith.constant 52224 : i32
    %dma_start3A_309 = arith.constant 0 : i32
    %dma_start3A_310 = tpu.memref_slice %arg1[%dma_start3A_308, %dma_start3A_309] : memref<100000x512xf32, #tpu.memory_space<hbm>> -> memref<1x512xf32, #tpu.memory_space<hbm>>
    tpu.enqueue_dma source(%dma_start3A_310 : memref<1x512xf32, #tpu.memory_space<hbm>>) target(%dma_start3A_307 : memref<1x512xf32, #tpu.memory_space<vmem_shared>>) target_semaphore(%arg10 : memref<!tpu.dma_semaphore, #tpu.memory_space<semaphore_mem>>)
    %dma_start3A_311 = arith.constant 52 : i32
    %dma_start3A_312 = arith.constant 0 : i32
    %dma_start3A_313 = tpu.memref_slice %arg3[%dma_start3A_311, %dma_start3A_312] : memref<64x512xf32, #tpu.memory_space<vmem_shared>> -> memref<1x512xf32, #tpu.memory_space<vmem_shared>>
    %dma_start3A_314 = arith.constant 53248 : i32
    %dma_start3A_315 = arith.constant 0 : i32
    %dma_start3A_316 = tpu.memref_slice %arg1[%dma_start3A_314, %dma_start3A_315] : memref<100000x512xf32, #tpu.memory_space<hbm>> -> memref<1x512xf32, #tpu.memory_space<hbm>>
    tpu.enqueue_dma source(%dma_start3A_316 : memref<1x512xf32, #tpu.memory_space<hbm>>) target(%dma_start3A_313 : memref<1x512xf32, #tpu.memory_space<vmem_shared>>) target_semaphore(%arg10 : memref<!tpu.dma_semaphore, #tpu.memory_space<semaphore_mem>>)
    %dma_start3A_317 = arith.constant 53 : i32
    %dma_start3A_318 = arith.constant 0 : i32
    %dma_start3A_319 = tpu.memref_slice %arg3[%dma_start3A_317, %dma_start3A_318] : memref<64x512xf32, #tpu.memory_space<vmem_shared>> -> memref<1x512xf32, #tpu.memory_space<vmem_shared>>
    %dma_start3A_320 = arith.constant 54272 : i32
    %dma_start3A_321 = arith.constant 0 : i32
    %dma_start3A_322 = tpu.memref_slice %arg1[%dma_start3A_320, %dma_start3A_321] : memref<100000x512xf32, #tpu.memory_space<hbm>> -> memref<1x512xf32, #tpu.memory_space<hbm>>
    tpu.enqueue_dma source(%dma_start3A_322 : memref<1x512xf32, #tpu.memory_space<hbm>>) target(%dma_start3A_319 : memref<1x512xf32, #tpu.memory_space<vmem_shared>>) target_semaphore(%arg10 : memref<!tpu.dma_semaphore, #tpu.memory_space<semaphore_mem>>)
    %dma_start3A_323 = arith.constant 54 : i32
    %dma_start3A_324 = arith.constant 0 : i32
    %dma_start3A_325 = tpu.memref_slice %arg3[%dma_start3A_323, %dma_start3A_324] : memref<64x512xf32, #tpu.memory_space<vmem_shared>> -> memref<1x512xf32, #tpu.memory_space<vmem_shared>>
    %dma_start3A_326 = arith.constant 55296 : i32
    %dma_start3A_327 = arith.constant 0 : i32
    %dma_start3A_328 = tpu.memref_slice %arg1[%dma_start3A_326, %dma_start3A_327] : memref<100000x512xf32, #tpu.memory_space<hbm>> -> memref<1x512xf32, #tpu.memory_space<hbm>>
    tpu.enqueue_dma source(%dma_start3A_328 : memref<1x512xf32, #tpu.memory_space<hbm>>) target(%dma_start3A_325 : memref<1x512xf32, #tpu.memory_space<vmem_shared>>) target_semaphore(%arg10 : memref<!tpu.dma_semaphore, #tpu.memory_space<semaphore_mem>>)
    %dma_start3A_329 = arith.constant 55 : i32
    %dma_start3A_330 = arith.constant 0 : i32
    %dma_start3A_331 = tpu.memref_slice %arg3[%dma_start3A_329, %dma_start3A_330] : memref<64x512xf32, #tpu.memory_space<vmem_shared>> -> memref<1x512xf32, #tpu.memory_space<vmem_shared>>
    %dma_start3A_332 = arith.constant 56320 : i32
    %dma_start3A_333 = arith.constant 0 : i32
    %dma_start3A_334 = tpu.memref_slice %arg1[%dma_start3A_332, %dma_start3A_333] : memref<100000x512xf32, #tpu.memory_space<hbm>> -> memref<1x512xf32, #tpu.memory_space<hbm>>
    tpu.enqueue_dma source(%dma_start3A_334 : memref<1x512xf32, #tpu.memory_space<hbm>>) target(%dma_start3A_331 : memref<1x512xf32, #tpu.memory_space<vmem_shared>>) target_semaphore(%arg10 : memref<!tpu.dma_semaphore, #tpu.memory_space<semaphore_mem>>)
    %dma_start3A_335 = arith.constant 56 : i32
    %dma_start3A_336 = arith.constant 0 : i32
    %dma_start3A_337 = tpu.memref_slice %arg3[%dma_start3A_335, %dma_start3A_336] : memref<64x512xf32, #tpu.memory_space<vmem_shared>> -> memref<1x512xf32, #tpu.memory_space<vmem_shared>>
    %dma_start3A_338 = arith.constant 57344 : i32
    %dma_start3A_339 = arith.constant 0 : i32
    %dma_start3A_340 = tpu.memref_slice %arg1[%dma_start3A_338, %dma_start3A_339] : memref<100000x512xf32, #tpu.memory_space<hbm>> -> memref<1x512xf32, #tpu.memory_space<hbm>>
    tpu.enqueue_dma source(%dma_start3A_340 : memref<1x512xf32, #tpu.memory_space<hbm>>) target(%dma_start3A_337 : memref<1x512xf32, #tpu.memory_space<vmem_shared>>) target_semaphore(%arg11 : memref<!tpu.dma_semaphore, #tpu.memory_space<semaphore_mem>>)
    %dma_start3A_341 = arith.constant 57 : i32
    %dma_start3A_342 = arith.constant 0 : i32
    %dma_start3A_343 = tpu.memref_slice %arg3[%dma_start3A_341, %dma_start3A_342] : memref<64x512xf32, #tpu.memory_space<vmem_shared>> -> memref<1x512xf32, #tpu.memory_space<vmem_shared>>
    %dma_start3A_344 = arith.constant 58368 : i32
    %dma_start3A_345 = arith.constant 0 : i32
    %dma_start3A_346 = tpu.memref_slice %arg1[%dma_start3A_344, %dma_start3A_345] : memref<100000x512xf32, #tpu.memory_space<hbm>> -> memref<1x512xf32, #tpu.memory_space<hbm>>
    tpu.enqueue_dma source(%dma_start3A_346 : memref<1x512xf32, #tpu.memory_space<hbm>>) target(%dma_start3A_343 : memref<1x512xf32, #tpu.memory_space<vmem_shared>>) target_semaphore(%arg11 : memref<!tpu.dma_semaphore, #tpu.memory_space<semaphore_mem>>)
    %dma_start3A_347 = arith.constant 58 : i32
    %dma_start3A_348 = arith.constant 0 : i32
    %dma_start3A_349 = tpu.memref_slice %arg3[%dma_start3A_347, %dma_start3A_348] : memref<64x512xf32, #tpu.memory_space<vmem_shared>> -> memref<1x512xf32, #tpu.memory_space<vmem_shared>>
    %dma_start3A_350 = arith.constant 59392 : i32
    %dma_start3A_351 = arith.constant 0 : i32
    %dma_start3A_352 = tpu.memref_slice %arg1[%dma_start3A_350, %dma_start3A_351] : memref<100000x512xf32, #tpu.memory_space<hbm>> -> memref<1x512xf32, #tpu.memory_space<hbm>>
    tpu.enqueue_dma source(%dma_start3A_352 : memref<1x512xf32, #tpu.memory_space<hbm>>) target(%dma_start3A_349 : memref<1x512xf32, #tpu.memory_space<vmem_shared>>) target_semaphore(%arg11 : memref<!tpu.dma_semaphore, #tpu.memory_space<semaphore_mem>>)
    %dma_start3A_353 = arith.constant 59 : i32
    %dma_start3A_354 = arith.constant 0 : i32
    %dma_start3A_355 = tpu.memref_slice %arg3[%dma_start3A_353, %dma_start3A_354] : memref<64x512xf32, #tpu.memory_space<vmem_shared>> -> memref<1x512xf32, #tpu.memory_space<vmem_shared>>
    %dma_start3A_356 = arith.constant 60416 : i32
    %dma_start3A_357 = arith.constant 0 : i32
    %dma_start3A_358 = tpu.memref_slice %arg1[%dma_start3A_356, %dma_start3A_357] : memref<100000x512xf32, #tpu.memory_space<hbm>> -> memref<1x512xf32, #tpu.memory_space<hbm>>
    tpu.enqueue_dma source(%dma_start3A_358 : memref<1x512xf32, #tpu.memory_space<hbm>>) target(%dma_start3A_355 : memref<1x512xf32, #tpu.memory_space<vmem_shared>>) target_semaphore(%arg11 : memref<!tpu.dma_semaphore, #tpu.memory_space<semaphore_mem>>)
    %dma_start3A_359 = arith.constant 60 : i32
    %dma_start3A_360 = arith.constant 0 : i32
    %dma_start3A_361 = tpu.memref_slice %arg3[%dma_start3A_359, %dma_start3A_360] : memref<64x512xf32, #tpu.memory_space<vmem_shared>> -> memref<1x512xf32, #tpu.memory_space<vmem_shared>>
    %dma_start3A_362 = arith.constant 61440 : i32
    %dma_start3A_363 = arith.constant 0 : i32
    %dma_start3A_364 = tpu.memref_slice %arg1[%dma_start3A_362, %dma_start3A_363] : memref<100000x512xf32, #tpu.memory_space<hbm>> -> memref<1x512xf32, #tpu.memory_space<hbm>>
    tpu.enqueue_dma source(%dma_start3A_364 : memref<1x512xf32, #tpu.memory_space<hbm>>) target(%dma_start3A_361 : memref<1x512xf32, #tpu.memory_space<vmem_shared>>) target_semaphore(%arg11 : memref<!tpu.dma_semaphore, #tpu.memory_space<semaphore_mem>>)
    %dma_start3A_365 = arith.constant 61 : i32
    %dma_start3A_366 = arith.constant 0 : i32
    %dma_start3A_367 = tpu.memref_slice %arg3[%dma_start3A_365, %dma_start3A_366] : memref<64x512xf32, #tpu.memory_space<vmem_shared>> -> memref<1x512xf32, #tpu.memory_space<vmem_shared>>
    %dma_start3A_368 = arith.constant 62464 : i32
    %dma_start3A_369 = arith.constant 0 : i32
    %dma_start3A_370 = tpu.memref_slice %arg1[%dma_start3A_368, %dma_start3A_369] : memref<100000x512xf32, #tpu.memory_space<hbm>> -> memref<1x512xf32, #tpu.memory_space<hbm>>
    tpu.enqueue_dma source(%dma_start3A_370 : memref<1x512xf32, #tpu.memory_space<hbm>>) target(%dma_start3A_367 : memref<1x512xf32, #tpu.memory_space<vmem_shared>>) target_semaphore(%arg11 : memref<!tpu.dma_semaphore, #tpu.memory_space<semaphore_mem>>)
    %dma_start3A_371 = arith.constant 62 : i32
    %dma_start3A_372 = arith.constant 0 : i32
    %dma_start3A_373 = tpu.memref_slice %arg3[%dma_start3A_371, %dma_start3A_372] : memref<64x512xf32, #tpu.memory_space<vmem_shared>> -> memref<1x512xf32, #tpu.memory_space<vmem_shared>>
    %dma_start3A_374 = arith.constant 63488 : i32
    %dma_start3A_375 = arith.constant 0 : i32
    %dma_start3A_376 = tpu.memref_slice %arg1[%dma_start3A_374, %dma_start3A_375] : memref<100000x512xf32, #tpu.memory_space<hbm>> -> memref<1x512xf32, #tpu.memory_space<hbm>>
    tpu.enqueue_dma source(%dma_start3A_376 : memref<1x512xf32, #tpu.memory_space<hbm>>) target(%dma_start3A_373 : memref<1x512xf32, #tpu.memory_space<vmem_shared>>) target_semaphore(%arg11 : memref<!tpu.dma_semaphore, #tpu.memory_space<semaphore_mem>>)
    %dma_start3A_377 = arith.constant 63 : i32
    %dma_start3A_378 = arith.constant 0 : i32
    %dma_start3A_379 = tpu.memref_slice %arg3[%dma_start3A_377, %dma_start3A_378] : memref<64x512xf32, #tpu.memory_space<vmem_shared>> -> memref<1x512xf32, #tpu.memory_space<vmem_shared>>
    %dma_start3A_380 = arith.constant 64512 : i32
    %dma_start3A_381 = arith.constant 0 : i32
    %dma_start3A_382 = tpu.memref_slice %arg1[%dma_start3A_380, %dma_start3A_381] : memref<100000x512xf32, #tpu.memory_space<hbm>> -> memref<1x512xf32, #tpu.memory_space<hbm>>
    tpu.enqueue_dma source(%dma_start3A_382 : memref<1x512xf32, #tpu.memory_space<hbm>>) target(%dma_start3A_379 : memref<1x512xf32, #tpu.memory_space<vmem_shared>>) target_semaphore(%arg11 : memref<!tpu.dma_semaphore, #tpu.memory_space<semaphore_mem>>)
    %dma_wait3A = arith.constant 0 : i32
    %dma_wait3A_383 = arith.constant 0 : i32
    %dma_wait3A_384 = tpu.memref_slice %arg3[%dma_wait3A, %dma_wait3A_383] : memref<64x512xf32, #tpu.memory_space<vmem_shared>> -> memref<8x512xf32, #tpu.memory_space<vmem_shared>>
    %dma_wait3A_385 = arith.constant 0 : i32
    %dma_wait3A_386 = arith.constant 0 : i32
    %dma_wait3A_387 = tpu.memref_slice %arg1[%dma_wait3A_385, %dma_wait3A_386] : memref<100000x512xf32, #tpu.memory_space<hbm>> -> memref<8x512xf32, #tpu.memory_space<hbm>>
    tpu.wait_dma2 semaphore(%arg4 : memref<!tpu.dma_semaphore, #tpu.memory_space<semaphore_mem>>) src(%dma_wait3A_387 : memref<8x512xf32, #tpu.memory_space<hbm>>) dst(%dma_wait3A_384 : memref<8x512xf32, #tpu.memory_space<vmem_shared>>)
    %dma_start3A_388 = arith.constant 0 : i32
    %dma_start3A_389 = arith.constant 0 : i32
    %dma_start3A_390 = tpu.memref_slice %arg2[%dma_start3A_388, %dma_start3A_389] : memref<64x512xf32, #tpu.memory_space<hbm>> -> memref<8x512xf32, #tpu.memory_space<hbm>>
    %dma_start3A_391 = arith.constant 0 : i32
    %dma_start3A_392 = arith.constant 0 : i32
    %dma_start3A_393 = tpu.memref_slice %arg3[%dma_start3A_391, %dma_start3A_392] : memref<64x512xf32, #tpu.memory_space<vmem_shared>> -> memref<8x512xf32, #tpu.memory_space<vmem_shared>>
    tpu.enqueue_dma source(%dma_start3A_393 : memref<8x512xf32, #tpu.memory_space<vmem_shared>>) target(%dma_start3A_390 : memref<8x512xf32, #tpu.memory_space<hbm>>) target_semaphore(%arg12 : memref<!tpu.dma_semaphore, #tpu.memory_space<semaphore_mem>>)
    %dma_wait3A_394 = arith.constant 8 : i32
    %dma_wait3A_395 = arith.constant 0 : i32
    %dma_wait3A_396 = tpu.memref_slice %arg3[%dma_wait3A_394, %dma_wait3A_395] : memref<64x512xf32, #tpu.memory_space<vmem_shared>> -> memref<8x512xf32, #tpu.memory_space<vmem_shared>>
    %dma_wait3A_397 = arith.constant 0 : i32
    %dma_wait3A_398 = arith.constant 0 : i32
    %dma_wait3A_399 = tpu.memref_slice %arg1[%dma_wait3A_397, %dma_wait3A_398] : memref<100000x512xf32, #tpu.memory_space<hbm>> -> memref<8x512xf32, #tpu.memory_space<hbm>>
    tpu.wait_dma2 semaphore(%arg5 : memref<!tpu.dma_semaphore, #tpu.memory_space<semaphore_mem>>) src(%dma_wait3A_399 : memref<8x512xf32, #tpu.memory_space<hbm>>) dst(%dma_wait3A_396 : memref<8x512xf32, #tpu.memory_space<vmem_shared>>)
    %dma_start3A_400 = arith.constant 8 : i32
    %dma_start3A_401 = arith.constant 0 : i32
    %dma_start3A_402 = tpu.memref_slice %arg2[%dma_start3A_400, %dma_start3A_401] : memref<64x512xf32, #tpu.memory_space<hbm>> -> memref<8x512xf32, #tpu.memory_space<hbm>>
    %dma_start3A_403 = arith.constant 8 : i32
    %dma_start3A_404 = arith.constant 0 : i32
    %dma_start3A_405 = tpu.memref_slice %arg3[%dma_start3A_403, %dma_start3A_404] : memref<64x512xf32, #tpu.memory_space<vmem_shared>> -> memref<8x512xf32, #tpu.memory_space<vmem_shared>>
    tpu.enqueue_dma source(%dma_start3A_405 : memref<8x512xf32, #tpu.memory_space<vmem_shared>>) target(%dma_start3A_402 : memref<8x512xf32, #tpu.memory_space<hbm>>) target_semaphore(%arg12 : memref<!tpu.dma_semaphore, #tpu.memory_space<semaphore_mem>>)
    %dma_wait3A_406 = arith.constant 16 : i32
    %dma_wait3A_407 = arith.constant 0 : i32
    %dma_wait3A_408 = tpu.memref_slice %arg3[%dma_wait3A_406, %dma_wait3A_407] : memref<64x512xf32, #tpu.memory_space<vmem_shared>> -> memref<8x512xf32, #tpu.memory_space<vmem_shared>>
    %dma_wait3A_409 = arith.constant 0 : i32
    %dma_wait3A_410 = arith.constant 0 : i32
    %dma_wait3A_411 = tpu.memref_slice %arg1[%dma_wait3A_409, %dma_wait3A_410] : memref<100000x512xf32, #tpu.memory_space<hbm>> -> memref<8x512xf32, #tpu.memory_space<hbm>>
    tpu.wait_dma2 semaphore(%arg6 : memref<!tpu.dma_semaphore, #tpu.memory_space<semaphore_mem>>) src(%dma_wait3A_411 : memref<8x512xf32, #tpu.memory_space<hbm>>) dst(%dma_wait3A_408 : memref<8x512xf32, #tpu.memory_space<vmem_shared>>)
    %dma_start3A_412 = arith.constant 16 : i32
    %dma_start3A_413 = arith.constant 0 : i32
    %dma_start3A_414 = tpu.memref_slice %arg2[%dma_start3A_412, %dma_start3A_413] : memref<64x512xf32, #tpu.memory_space<hbm>> -> memref<8x512xf32, #tpu.memory_space<hbm>>
    %dma_start3A_415 = arith.constant 16 : i32
    %dma_start3A_416 = arith.constant 0 : i32
    %dma_start3A_417 = tpu.memref_slice %arg3[%dma_start3A_415, %dma_start3A_416] : memref<64x512xf32, #tpu.memory_space<vmem_shared>> -> memref<8x512xf32, #tpu.memory_space<vmem_shared>>
    tpu.enqueue_dma source(%dma_start3A_417 : memref<8x512xf32, #tpu.memory_space<vmem_shared>>) target(%dma_start3A_414 : memref<8x512xf32, #tpu.memory_space<hbm>>) target_semaphore(%arg12 : memref<!tpu.dma_semaphore, #tpu.memory_space<semaphore_mem>>)
    %dma_wait3A_418 = arith.constant 24 : i32
    %dma_wait3A_419 = arith.constant 0 : i32
    %dma_wait3A_420 = tpu.memref_slice %arg3[%dma_wait3A_418, %dma_wait3A_419] : memref<64x512xf32, #tpu.memory_space<vmem_shared>> -> memref<8x512xf32, #tpu.memory_space<vmem_shared>>
    %dma_wait3A_421 = arith.constant 0 : i32
    %dma_wait3A_422 = arith.constant 0 : i32
    %dma_wait3A_423 = tpu.memref_slice %arg1[%dma_wait3A_421, %dma_wait3A_422] : memref<100000x512xf32, #tpu.memory_space<hbm>> -> memref<8x512xf32, #tpu.memory_space<hbm>>
    tpu.wait_dma2 semaphore(%arg7 : memref<!tpu.dma_semaphore, #tpu.memory_space<semaphore_mem>>) src(%dma_wait3A_423 : memref<8x512xf32, #tpu.memory_space<hbm>>) dst(%dma_wait3A_420 : memref<8x512xf32, #tpu.memory_space<vmem_shared>>)
    %dma_start3A_424 = arith.constant 24 : i32
    %dma_start3A_425 = arith.constant 0 : i32
    %dma_start3A_426 = tpu.memref_slice %arg2[%dma_start3A_424, %dma_start3A_425] : memref<64x512xf32, #tpu.memory_space<hbm>> -> memref<8x512xf32, #tpu.memory_space<hbm>>
    %dma_start3A_427 = arith.constant 24 : i32
    %dma_start3A_428 = arith.constant 0 : i32
    %dma_start3A_429 = tpu.memref_slice %arg3[%dma_start3A_427, %dma_start3A_428] : memref<64x512xf32, #tpu.memory_space<vmem_shared>> -> memref<8x512xf32, #tpu.memory_space<vmem_shared>>
    tpu.enqueue_dma source(%dma_start3A_429 : memref<8x512xf32, #tpu.memory_space<vmem_shared>>) target(%dma_start3A_426 : memref<8x512xf32, #tpu.memory_space<hbm>>) target_semaphore(%arg12 : memref<!tpu.dma_semaphore, #tpu.memory_space<semaphore_mem>>)
    %dma_wait3A_430 = arith.constant 32 : i32
    %dma_wait3A_431 = arith.constant 0 : i32
    %dma_wait3A_432 = tpu.memref_slice %arg3[%dma_wait3A_430, %dma_wait3A_431] : memref<64x512xf32, #tpu.memory_space<vmem_shared>> -> memref<8x512xf32, #tpu.memory_space<vmem_shared>>
    %dma_wait3A_433 = arith.constant 0 : i32
    %dma_wait3A_434 = arith.constant 0 : i32
    %dma_wait3A_435 = tpu.memref_slice %arg1[%dma_wait3A_433, %dma_wait3A_434] : memref<100000x512xf32, #tpu.memory_space<hbm>> -> memref<8x512xf32, #tpu.memory_space<hbm>>
    tpu.wait_dma2 semaphore(%arg8 : memref<!tpu.dma_semaphore, #tpu.memory_space<semaphore_mem>>) src(%dma_wait3A_435 : memref<8x512xf32, #tpu.memory_space<hbm>>) dst(%dma_wait3A_432 : memref<8x512xf32, #tpu.memory_space<vmem_shared>>)
    %dma_start3A_436 = arith.constant 32 : i32
    %dma_start3A_437 = arith.constant 0 : i32
    %dma_start3A_438 = tpu.memref_slice %arg2[%dma_start3A_436, %dma_start3A_437] : memref<64x512xf32, #tpu.memory_space<hbm>> -> memref<8x512xf32, #tpu.memory_space<hbm>>
    %dma_start3A_439 = arith.constant 32 : i32
    %dma_start3A_440 = arith.constant 0 : i32
    %dma_start3A_441 = tpu.memref_slice %arg3[%dma_start3A_439, %dma_start3A_440] : memref<64x512xf32, #tpu.memory_space<vmem_shared>> -> memref<8x512xf32, #tpu.memory_space<vmem_shared>>
    tpu.enqueue_dma source(%dma_start3A_441 : memref<8x512xf32, #tpu.memory_space<vmem_shared>>) target(%dma_start3A_438 : memref<8x512xf32, #tpu.memory_space<hbm>>) target_semaphore(%arg12 : memref<!tpu.dma_semaphore, #tpu.memory_space<semaphore_mem>>)
    %dma_wait3A_442 = arith.constant 40 : i32
    %dma_wait3A_443 = arith.constant 0 : i32
    %dma_wait3A_444 = tpu.memref_slice %arg3[%dma_wait3A_442, %dma_wait3A_443] : memref<64x512xf32, #tpu.memory_space<vmem_shared>> -> memref<8x512xf32, #tpu.memory_space<vmem_shared>>
    %dma_wait3A_445 = arith.constant 0 : i32
    %dma_wait3A_446 = arith.constant 0 : i32
    %dma_wait3A_447 = tpu.memref_slice %arg1[%dma_wait3A_445, %dma_wait3A_446] : memref<100000x512xf32, #tpu.memory_space<hbm>> -> memref<8x512xf32, #tpu.memory_space<hbm>>
    tpu.wait_dma2 semaphore(%arg9 : memref<!tpu.dma_semaphore, #tpu.memory_space<semaphore_mem>>) src(%dma_wait3A_447 : memref<8x512xf32, #tpu.memory_space<hbm>>) dst(%dma_wait3A_444 : memref<8x512xf32, #tpu.memory_space<vmem_shared>>)
    %dma_start3A_448 = arith.constant 40 : i32
    %dma_start3A_449 = arith.constant 0 : i32
    %dma_start3A_450 = tpu.memref_slice %arg2[%dma_start3A_448, %dma_start3A_449] : memref<64x512xf32, #tpu.memory_space<hbm>> -> memref<8x512xf32, #tpu.memory_space<hbm>>
    %dma_start3A_451 = arith.constant 40 : i32
    %dma_start3A_452 = arith.constant 0 : i32
    %dma_start3A_453 = tpu.memref_slice %arg3[%dma_start3A_451, %dma_start3A_452] : memref<64x512xf32, #tpu.memory_space<vmem_shared>> -> memref<8x512xf32, #tpu.memory_space<vmem_shared>>
    tpu.enqueue_dma source(%dma_start3A_453 : memref<8x512xf32, #tpu.memory_space<vmem_shared>>) target(%dma_start3A_450 : memref<8x512xf32, #tpu.memory_space<hbm>>) target_semaphore(%arg12 : memref<!tpu.dma_semaphore, #tpu.memory_space<semaphore_mem>>)
    %dma_wait3A_454 = arith.constant 48 : i32
    %dma_wait3A_455 = arith.constant 0 : i32
    %dma_wait3A_456 = tpu.memref_slice %arg3[%dma_wait3A_454, %dma_wait3A_455] : memref<64x512xf32, #tpu.memory_space<vmem_shared>> -> memref<8x512xf32, #tpu.memory_space<vmem_shared>>
    %dma_wait3A_457 = arith.constant 0 : i32
    %dma_wait3A_458 = arith.constant 0 : i32
    %dma_wait3A_459 = tpu.memref_slice %arg1[%dma_wait3A_457, %dma_wait3A_458] : memref<100000x512xf32, #tpu.memory_space<hbm>> -> memref<8x512xf32, #tpu.memory_space<hbm>>
    tpu.wait_dma2 semaphore(%arg10 : memref<!tpu.dma_semaphore, #tpu.memory_space<semaphore_mem>>) src(%dma_wait3A_459 : memref<8x512xf32, #tpu.memory_space<hbm>>) dst(%dma_wait3A_456 : memref<8x512xf32, #tpu.memory_space<vmem_shared>>)
    %dma_start3A_460 = arith.constant 48 : i32
    %dma_start3A_461 = arith.constant 0 : i32
    %dma_start3A_462 = tpu.memref_slice %arg2[%dma_start3A_460, %dma_start3A_461] : memref<64x512xf32, #tpu.memory_space<hbm>> -> memref<8x512xf32, #tpu.memory_space<hbm>>
    %dma_start3A_463 = arith.constant 48 : i32
    %dma_start3A_464 = arith.constant 0 : i32
    %dma_start3A_465 = tpu.memref_slice %arg3[%dma_start3A_463, %dma_start3A_464] : memref<64x512xf32, #tpu.memory_space<vmem_shared>> -> memref<8x512xf32, #tpu.memory_space<vmem_shared>>
    tpu.enqueue_dma source(%dma_start3A_465 : memref<8x512xf32, #tpu.memory_space<vmem_shared>>) target(%dma_start3A_462 : memref<8x512xf32, #tpu.memory_space<hbm>>) target_semaphore(%arg12 : memref<!tpu.dma_semaphore, #tpu.memory_space<semaphore_mem>>)
    %dma_wait3A_466 = arith.constant 56 : i32
    %dma_wait3A_467 = arith.constant 0 : i32
    %dma_wait3A_468 = tpu.memref_slice %arg3[%dma_wait3A_466, %dma_wait3A_467] : memref<64x512xf32, #tpu.memory_space<vmem_shared>> -> memref<8x512xf32, #tpu.memory_space<vmem_shared>>
    %dma_wait3A_469 = arith.constant 0 : i32
    %dma_wait3A_470 = arith.constant 0 : i32
    %dma_wait3A_471 = tpu.memref_slice %arg1[%dma_wait3A_469, %dma_wait3A_470] : memref<100000x512xf32, #tpu.memory_space<hbm>> -> memref<8x512xf32, #tpu.memory_space<hbm>>
    tpu.wait_dma2 semaphore(%arg11 : memref<!tpu.dma_semaphore, #tpu.memory_space<semaphore_mem>>) src(%dma_wait3A_471 : memref<8x512xf32, #tpu.memory_space<hbm>>) dst(%dma_wait3A_468 : memref<8x512xf32, #tpu.memory_space<vmem_shared>>)
    %dma_start3A_472 = arith.constant 56 : i32
    %dma_start3A_473 = arith.constant 0 : i32
    %dma_start3A_474 = tpu.memref_slice %arg2[%dma_start3A_472, %dma_start3A_473] : memref<64x512xf32, #tpu.memory_space<hbm>> -> memref<8x512xf32, #tpu.memory_space<hbm>>
    %dma_start3A_475 = arith.constant 56 : i32
    %dma_start3A_476 = arith.constant 0 : i32
    %dma_start3A_477 = tpu.memref_slice %arg3[%dma_start3A_475, %dma_start3A_476] : memref<64x512xf32, #tpu.memory_space<vmem_shared>> -> memref<8x512xf32, #tpu.memory_space<vmem_shared>>
    tpu.enqueue_dma source(%dma_start3A_477 : memref<8x512xf32, #tpu.memory_space<vmem_shared>>) target(%dma_start3A_474 : memref<8x512xf32, #tpu.memory_space<hbm>>) target_semaphore(%arg12 : memref<!tpu.dma_semaphore, #tpu.memory_space<semaphore_mem>>)
    %dma_wait3A_478 = arith.constant 0 : i32
    %dma_wait3A_479 = arith.constant 0 : i32
    %dma_wait3A_480 = tpu.memref_slice %arg1[%dma_wait3A_478, %dma_wait3A_479] : memref<100000x512xf32, #tpu.memory_space<hbm>> -> memref<64x512xf32, #tpu.memory_space<hbm>>
    tpu.wait_dma2 semaphore(%arg12 : memref<!tpu.dma_semaphore, #tpu.memory_space<semaphore_mem>>) src(%dma_wait3A_480 : memref<64x512xf32, #tpu.memory_space<hbm>>) dst(%arg2 : memref<64x512xf32, #tpu.memory_space<hbm>>)
    return
  }
}

</mosaic_0001>

<sc_bundles>
// kernel: kernel.3.cloned.1.call-start
scs
__scs_entry_jumppad:
0x0: {  	(pc) =	sbr.rel $0x88, $3  }
0x1: {  	(tag) =	ssettag $0x0;
	lr =	simm.s32 $0x1  }
0x2: {  	[smem:$0x3FA0] =	sst lr;
	_ =	strace $0xD0000000  }
0x3: {  	_ = 	snop  }
0x4: {  	_ = 	snop  }
0x5: {  	_ = 	snop  }
0x6: {  	_ = 	snop  }
0x7: {  	_ = 	snop  }
__scs_overlays_trampoline_lowered:
0x8: {  	[smem:$0x3FAF] =	sst s0  }
0x9: {  	[smem:$0x3FB0] =	sst s1  }
0xa: {  	[smem:$0x3FB1] =	sst s2  }
0xb: {  	[smem:$0x3FB2] =	sst s3  }
0xc: {  	[smem:$0x3FB3] =	sst s4  }
0xd: {  	[smem:$0x3FB4] =	sst s5  }
0xe: {  	[smem:$0x3FB5] =	sst s6  }
0xf: {  	[smem:$0x3FB6] =	sst s7  }
0x10: {  	[smem:$0x3FB7] =	sst s8  }
0x11: {  	[smem:$0x3FB8] =	sst s9;
	s0 =	simm.s32 @!p0 $0x0  }
0x12: {  	s1 =	sld [smem:$0x3F9E];
	s0 =	simm.s32 @p0 $0x1  }
0x13: {  	[smem:$0x3FB9] =	sst s0;
	s0 =	simm.s32 @!p1 $0x0  }
0x14: {  	s2 =	sld [smem:$0x3F9D];
	s0 =	simm.s32 @p1 $0x1  }
0x15: {  	[smem:$0x3FBA] =	sst s0;
	s0 =	simm.s32 @!p2 $0x0  }
0x16: {  	s3 =	sld [smem:$0x3FDB];
	s0 =	simm.s32 @p2 $0x1  }
0x17: {  	s4 =	simm.s32 $0x1BF5;
	[smem:$0x3FBC] =	sst s0  }
0x18: {  	s0 =	sld [smem:$0x3F9F];
	_ =	swait.ge [sflag:s4], $0x0  }
0x19: {  	s7 =	sld [smem:$0x3FA0]  }
0x1a: {  	s8 =	sadd.s32 $0xFFFFE003, lr  }
0x1b: {  	s9 =	sadd.s32 $0xFFFFFEF7, lr;
	s5 =	simm.s32 $0xFFFFFFFF;
	p2 =	slt.u32 s8, $0xFFFFF086  }
0x1c: {  	p1 =	slt.u32 s9, $0xF7A;
	s5 =	simm.s32 @!p2 $0x0  }
0x1d: {  	s5 =	simm.s32 @p1 $0x1;
	p0 =	seq.s32 s7, s2  }
0x1e: {  	s7 =	smul.u32 @!p0 $0xF7A, s2;
	p2 =	seq.s32 @!p0 s5, $0x0  }
0x1f: {  	s9 =	smul.u32 $0xF7A, s1;
	s8 =	simm.s32 @!p0 $0x1BF5;
	p2 =	por !p2, p0  }
0x20: {  	[sflag:s8] =	ssyncset.s32 @!p0 $0xFFFFF086;
	s6 =	sadd.s32 @!p0 s3, s7;
	s7 =	simm.s32 @!p0 $0x108  }
0x21: {  	s3 =	sadd.s32 s3, s9;
	s6 =	sadd.s32 @!p0 $0x88, s6;
	s7 =	simm.s32 @p2 $0x1082  }
0x22: {  	[simem:s7], [sflag:s8] =	dma.local @!p0 [hbm:s6], $0xF7A  }
0x23: {  	s9 =	sor.u32 $0xD0000000, s2;
	s6 =	simm.s32 $0x108;
	_ =	swait.ge @!p0 [sflag:s8], $0x0  }
0x24: {  	s3 =	sadd.s32 $0x88, s3;
	s6 =	simm.s32 @!p1 $0x1082;
	[sflag:s4] =	ssyncset.s32 $0xFFFFF086  }
0x25: {  	[simem:s6], [sflag:s4] =	dma.local [hbm:s3], $0xF7A  }
0x26: {  	[smem:$0x3FA0] =	sst s1;
	(tag) =	ssettag s2;
	_ =	strace s9  }
0x27: {  	s1 =	sld [smem:$0x3FB0]  }
0x28: {  	s2 =	sld [smem:$0x3FB1]  }
0x29: {  	s4 =	sld [smem:$0x3FB3]  }
0x2a: {  	p0 =	seq.s32 s5, $0x0;
	s5 =	sld [smem:$0x3FB4]  }
0x2b: {  	s6 =	sld [smem:$0x3FB5]  }
0x2c: {  	s7 =	sld [smem:$0x3FB6]  }
0x2d: {  	s3 =	simm.s32 $0x108;
	s8 =	sld [smem:$0x3FB7]  }
0x2e: {  	s3 =	simm.s32 @!p0 $0x1082;
	s9 =	sld [smem:$0x3FB8]  }
0x2f: {  	lr =	sadd.s32 s0, s3;
	s0 =	sld [smem:$0x3FAF]  }
0x30: {  	s3 =	sld [smem:$0x3FB2]  }
0x31: {  	[smem:$0x3FBB] =	sst s10  }
0x32: {  	s10 =	sld [smem:$0x3FB9];
	_ =	sdelay $0x3  }
0x33: {  	p0 =	seq.s32 s10, $0x1;
	s10 =	sld [smem:$0x3FBB];
	_ =	sdelay $0x3  }
0x34: {  	[smem:$0x3FBB] =	sst s10  }
0x35: {  	s10 =	sld [smem:$0x3FBA];
	_ =	sdelay $0x3  }
0x36: {  	p1 =	seq.s32 s10, $0x1;
	s10 =	sld [smem:$0x3FBB];
	_ =	sdelay $0x3  }
0x37: {  	[smem:$0x3FBB] =	sst s10  }
0x38: {  	s10 =	sld [smem:$0x3FBC]  }
0x39: {  	_ = 	snop;
	(pc) =	sbr.ind lr, $3  }
0x3a: {  	_ = 	snop  }
0x3b: {  	_ = 	snop  }
0x3c: {  	p2 =	seq.s32 s10, $0x1;
	s10 =	sld [smem:$0x3FBB]  }
0x3d: {  	_ =	shalt  }
0x3e: {  	_ =	shalt  }
0x3f: {  	_ =	shalt  }
0x40: {  	_ =	shalt  }
0x41: {  	_ =	shalt  }
0x42: {  	_ =	shalt  }
0x43: {  	_ =	shalt  }
0x44: {  	_ =	shalt  }
0x45: {  	_ =	shalt  }
0x46: {  	_ =	shalt  }
0x47: {  	_ =	shalt  }
0x48: {  	_ =	shalt  }
0x49: {  	_ =	shalt  }
0x4a: {  	_ =	shalt  }
0x4b: {  	_ =	shalt  }
0x4c: {  	_ =	shalt  }
0x4d: {  	_ =	shalt  }
0x4e: {  	_ =	shalt  }
0x4f: {  	_ =	shalt  }
0x50: {  	_ =	shalt  }
0x51: {  	_ =	shalt  }
0x52: {  	_ =	shalt  }
0x53: {  	_ =	shalt  }
0x54: {  	_ =	shalt  }
0x55: {  	_ =	shalt  }
0x56: {  	_ =	shalt  }
0x57: {  	_ =	shalt  }
0x58: {  	_ =	shalt  }
0x59: {  	_ =	shalt  }
0x5a: {  	_ =	shalt  }
0x5b: {  	_ =	shalt  }
0x5c: {  	_ =	shalt  }
0x5d: {  	_ =	shalt  }
0x5e: {  	_ =	shalt  }
0x5f: {  	_ =	shalt  }
0x60: {  	_ =	shalt  }
0x61: {  	_ =	shalt  }
0x62: {  	_ =	shalt  }
0x63: {  	_ =	shalt  }
0x64: {  	_ =	shalt  }
0x65: {  	_ =	shalt  }
0x66: {  	_ =	shalt  }
0x67: {  	_ =	shalt  }
0x68: {  	_ =	shalt  }
0x69: {  	_ =	shalt  }
0x6a: {  	_ =	shalt  }
0x6b: {  	_ =	shalt  }
0x6c: {  	_ =	shalt  }
0x6d: {  	_ =	shalt  }
0x6e: {  	_ =	shalt  }
0x6f: {  	_ =	shalt  }
0x70: {  	_ =	shalt  }
0x71: {  	_ =	shalt  }
0x72: {  	_ =	shalt  }
0x73: {  	_ =	shalt  }
0x74: {  	_ =	shalt  }
0x75: {  	_ =	shalt  }
0x76: {  	_ =	shalt  }
0x77: {  	_ =	shalt  }
0x78: {  	_ =	shalt  }
0x79: {  	_ =	shalt  }
0x7a: {  	_ =	shalt  }
0x7b: {  	_ =	shalt  }
0x7c: {  	_ =	shalt  }
0x7d: {  	_ =	shalt  }
0x7e: {  	_ =	shalt  }
0x7f: {  	_ =	shalt  }
0x80: {  	_ =	shalt  }
0x81: {  	_ =	shalt  }
0x82: {  	_ =	shalt  }
0x83: {  	_ =	shalt  }
0x84: {  	_ =	shalt  }
0x85: {  	_ =	shalt  }
0x86: {  	_ =	shalt  }
0x87: {  	_ =	shalt  }
.Lfunc_end0:
.L_simem_size_0:
called_computation_lowered:
.L_overlay_start_0:
0x88: {  	s0 =	sld [smem:$0x3FD9]  }
0x89: {  	s1 =	sld [smem:$0x3FFE];
	_ =	sdelay $0x3  }
0x8a: {  	s0 =	sadd.s32 s1, s0  }
0x8b: {  	s2 =	simm.s32 $0x0;
	[smem:$0x3FC7] =	sst s0  }
0x8c: {  	[smem:$0xF] =	sst s2  }
0x8d: {  	s3 =	sld [smem:$0x3FC9]  }
0x8e: {  	s0 =	sld [smem:$0x3FD0];
	(tm) =	ssettm $0x1  }
0x8f: {  	s10 =	sld [smem:$0x3FFB];
	_ =	sdelay $0x3  }
0x90: {  	_ =	strace s10  }
0x91: {  	s1 =	sld [smem:$0x3FFC];
	_ =	sdelay $0x2  }
0x92: {  	s11 =	simm.s32 $0x1B8B;
	s12 =	simm.s32 $0x1B8E  }
0x93: {  	s5 =	simm.s32 $0x1;
	s6 =	simm.s32 $0x80;
	_ =	strace s1  }
0x94: {  	s4 =	simm.s32 $0x9;
	s8 =	simm.s32 $0x20;
	s1 =	sld [smem:$0x3FFD]  }
0x95: {  	s15 =	simm.s32 $0x30;
	s17 =	simm.s32 $0x40;
	s19 =	simm.s32 $0x50  }
0x96: {  	s21 =	simm.s32 $0x60;
	s23 =	simm.s32 $0x70;
	s26 =	simm.s32 $0x220  }
0x97: {  	s29 =	simm.s32 $0x230;
	s31 =	simm.s32 $0x240;
	s7 =	sadd.s32 $0x10000, s3  }
0x98: {  	s13 =	sadd.s32 $0x20000, s3;
	s14 =	sadd.s32 $0x30000, s3;
	_ =	strace s1  }
0x99: {  	s16 =	sadd.s32 $0x40000, s3;
	s18 =	sadd.s32 $0x50000, s3;
	_ =	strace $0x8FFFFFFF  }
0x9a: {  	s20 =	sadd.s32 $0x60000, s3;
	s22 =	sadd.s32 $0x70000, s3;
	_ =	swait.ge [sflag:s11], $0x1  }
0x9b: {  	s9 =	sadd.s32 $0x80000, s3;
	s24 =	sadd.s32 $0x90000, s3;
	[sflag:s11] =	ssyncset.done $0x0  }
0x9c: {  	s25 =	sadd.s32 $0xA0000, s3;
	s28 =	sadd.s32 $0xB0000, s3;
	[sflag:s11] =	ssyncadd.s32 $0xFFFFFFFF  }
0x9d: {  	s30 =	sadd.s32 $0xC0000, s3;
	s10 =	simm.s32 $0x210;
	[smem:$0x3FD2] =	sst s12  }
0x9e: {  	s1 =	simm.s32 $0x10;
	s11 =	sadd.s32 $0xD0000, s3;
	_ =	strace $0x80000046  }
0x9f: {  	[spmem:s2@s6], [sflag:s4] =	dma.strided [hbm:s3@s6], $0x40, s5, $0x10   }
0xa0: {  	[spmem:s1@s6], [sflag:s4] =	dma.strided [hbm:s7@s6], $0x40, s5, $0x10   }
0xa1: {  	[spmem:s8@s6], [sflag:s4] =	dma.strided [hbm:s13@s6], $0x40, s5, $0x10   }
0xa2: {  	s12 =	simm.s32 $0x250;
	s7 =	simm.s32 $0x200;
	s8 =	simm.s32 $0xA  }
0xa3: {  	[spmem:s15@s6], [sflag:s4] =	dma.strided [hbm:s14@s6], $0x40, s5, $0x10   }
0xa4: {  	s13 =	sadd.s32 $0xE0000, s3;
	s14 =	simm.s32 $0x260;
	s15 =	sadd.s32 $0xF0000, s3  }
0xa5: {  	[spmem:s17@s6], [sflag:s4] =	dma.strided [hbm:s16@s6], $0x40, s5, $0x10   }
0xa6: {  	[spmem:s19@s6], [sflag:s4] =	dma.strided [hbm:s18@s6], $0x40, s5, $0x10   }
0xa7: {  	s16 =	simm.s32 $0x270;
	s17 =	sadd.s32 $0x110000, s3;
	s18 =	sadd.s32 $0x120000, s3  }
0xa8: {  	[spmem:s21@s6], [sflag:s4] =	dma.strided [hbm:s20@s6], $0x40, s5, $0x10   }
0xa9: {  	s19 =	simm.s32 $0x420;
	s20 =	sadd.s32 $0x130000, s3;
	s21 =	simm.s32 $0x430  }
0xaa: {  	[spmem:s23@s6], [sflag:s4] =	dma.strided [hbm:s22@s6], $0x40, s5, $0x10   }
0xab: {  	[spmem:s7@s6], [sflag:s8] =	dma.strided [hbm:s9@s6], $0x40, s5, $0x10   }
0xac: {  	s22 =	sadd.s32 $0x140000, s3;
	s23 =	simm.s32 $0x440;
	s9 =	simm.s32 $0x400  }
0xad: {  	[spmem:s10@s6], [sflag:s8] =	dma.strided [hbm:s24@s6], $0x40, s5, $0x10   }
0xae: {  	[spmem:s26@s6], [sflag:s8] =	dma.strided [hbm:s25@s6], $0x40, s5, $0x10   }
0xaf: {  	s10 =	simm.s32 $0xB;
	s24 =	sadd.s32 $0x150000, s3;
	s25 =	simm.s32 $0x450  }
0xb0: {  	[spmem:s29@s6], [sflag:s8] =	dma.strided [hbm:s28@s6], $0x40, s5, $0x10   }
0xb1: {  	s26 =	sadd.s32 $0x160000, s3;
	s28 =	simm.s32 $0x460;
	s29 =	sadd.s32 $0x170000, s3  }
0xb2: {  	[spmem:s31@s6], [sflag:s8] =	dma.strided [hbm:s30@s6], $0x40, s5, $0x10   }
0xb3: {  	[spmem:s12@s6], [sflag:s8] =	dma.strided [hbm:s11@s6], $0x40, s5, $0x10   }
0xb4: {  	s30 =	simm.s32 $0x470;
	s31 =	sadd.s32 $0x190000, s3;
	s11 =	sadd.s32 $0x100000, s3  }
0xb5: {  	[spmem:s14@s6], [sflag:s8] =	dma.strided [hbm:s13@s6], $0x40, s5, $0x10   }
0xb6: {  	s12 =	simm.s32 $0x410;
	s13 =	sadd.s32 $0x180000, s3;
	s14 =	simm.s32 $0x610  }
0xb7: {  	[spmem:s16@s6], [sflag:s8] =	dma.strided [hbm:s15@s6], $0x40, s5, $0x10   }
0xb8: {  	[spmem:s9@s6], [sflag:s10] =	dma.strided [hbm:s11@s6], $0x40, s5, $0x10   }
0xb9: {  	s15 =	simm.s32 $0x620;
	s16 =	sadd.s32 $0x1B0000, s3;
	s11 =	simm.s32 $0x600  }
0xba: {  	[spmem:s12@s6], [sflag:s10] =	dma.strided [hbm:s17@s6], $0x40, s5, $0x10   }
0xbb: {  	[spmem:s19@s6], [sflag:s10] =	dma.strided [hbm:s18@s6], $0x40, s5, $0x10   }
0xbc: {  	s12 =	simm.s32 $0xC;
	s17 =	simm.s32 $0x630;
	s18 =	sadd.s32 $0x1C0000, s3  }
0xbd: {  	[spmem:s21@s6], [sflag:s10] =	dma.strided [hbm:s20@s6], $0x40, s5, $0x10   }
0xbe: {  	s19 =	simm.s32 $0x640;
	s20 =	sadd.s32 $0x1D0000, s3;
	s21 =	simm.s32 $0x650  }
0xbf: {  	[spmem:s23@s6], [sflag:s10] =	dma.strided [hbm:s22@s6], $0x40, s5, $0x10   }
0xc0: {  	[spmem:s25@s6], [sflag:s10] =	dma.strided [hbm:s24@s6], $0x40, s5, $0x10   }
0xc1: {  	s22 =	sadd.s32 $0x1E0000, s3;
	s23 =	simm.s32 $0x660;
	s24 =	sadd.s32 $0x1F0000, s3  }
0xc2: {  	[spmem:s28@s6], [sflag:s10] =	dma.strided [hbm:s26@s6], $0x40, s5, $0x10   }
0xc3: {  	s25 =	simm.s32 $0x670;
	s26 =	sadd.s32 $0x210000, s3;
	s28 =	sadd.s32 $0x220000, s3  }
0xc4: {  	[spmem:s30@s6], [sflag:s10] =	dma.strided [hbm:s29@s6], $0x40, s5, $0x10   }
0xc5: {  	[spmem:s11@s6], [sflag:s12] =	dma.strided [hbm:s13@s6], $0x40, s5, $0x10   }
0xc6: {  	[spmem:s14@s6], [sflag:s12] =	dma.strided [hbm:s31@s6], $0x40, s5, $0x10   }
0xc7: {  	s29 =	simm.s32 $0x820;
	s30 =	sadd.s32 $0x230000, s3;
	s14 =	sadd.s32 $0x1A0000, s3  }
0xc8: {  	[spmem:s15@s6], [sflag:s12] =	dma.strided [hbm:s14@s6], $0x40, s5, $0x10   }
0xc9: {  	s13 =	simm.s32 $0x800;
	s31 =	simm.s32 $0x830;
	s15 =	sadd.s32 $0x200000, s3  }
0xca: {  	[spmem:s17@s6], [sflag:s12] =	dma.strided [hbm:s16@s6], $0x40, s5, $0x10   }
0xcb: {  	s14 =	simm.s32 $0xD;
	s16 =	simm.s32 $0x810;
	s17 =	simm.s32 $0x840  }
0xcc: {  	[spmem:s19@s6], [sflag:s12] =	dma.strided [hbm:s18@s6], $0x40, s5, $0x10   }
0xcd: {  	[spmem:s21@s6], [sflag:s12] =	dma.strided [hbm:s20@s6], $0x40, s5, $0x10   }
0xce: {  	s18 =	sadd.s32 $0x250000, s3;
	s19 =	simm.s32 $0x850;
	s20 =	sadd.s32 $0x260000, s3  }
0xcf: {  	[spmem:s23@s6], [sflag:s12] =	dma.strided [hbm:s22@s6], $0x40, s5, $0x10   }
0xd0: {  	s21 =	simm.s32 $0x860;
	s22 =	sadd.s32 $0x270000, s3;
	s23 =	simm.s32 $0x870  }
0xd1: {  	[spmem:s25@s6], [sflag:s12] =	dma.strided [hbm:s24@s6], $0x40, s5, $0x10   }
0xd2: {  	[spmem:s13@s6], [sflag:s14] =	dma.strided [hbm:s15@s6], $0x40, s5, $0x10   }
0xd3: {  	s24 =	sadd.s32 $0x290000, s3;
	s25 =	sadd.s32 $0x2A0000, s3;
	s15 =	simm.s32 $0xA00  }
0xd4: {  	[spmem:s16@s6], [sflag:s14] =	dma.strided [hbm:s26@s6], $0x40, s5, $0x10   }
0xd5: {  	[spmem:s29@s6], [sflag:s14] =	dma.strided [hbm:s28@s6], $0x40, s5, $0x10   }
0xd6: {  	s16 =	sadd.s32 $0x240000, s3;
	s26 =	simm.s32 $0xA20;
	s28 =	sadd.s32 $0x2B0000, s3  }
0xd7: {  	[spmem:s31@s6], [sflag:s14] =	dma.strided [hbm:s30@s6], $0x40, s5, $0x10   }
0xd8: {  	s29 =	simm.s32 $0xA30;
	s30 =	sadd.s32 $0x2C0000, s3;
	s31 =	simm.s32 $0xA40  }
0xd9: {  	[spmem:s17@s6], [sflag:s14] =	dma.strided [hbm:s16@s6], $0x40, s5, $0x10   }
0xda: {  	[spmem:s19@s6], [sflag:s14] =	dma.strided [hbm:s18@s6], $0x40, s5, $0x10   }
0xdb: {  	s17 =	sadd.s32 $0x280000, s3;
	s16 =	simm.s32 $0xE;
	s18 =	simm.s32 $0xA10  }
0xdc: {  	[spmem:s21@s6], [sflag:s14] =	dma.strided [hbm:s20@s6], $0x40, s5, $0x10   }
0xdd: {  	s19 =	simm.s32 $0xA50;
	s20 =	sadd.s32 $0x2E0000, s3;
	s21 =	simm.s32 $0xA60  }
0xde: {  	[spmem:s23@s6], [sflag:s14] =	dma.strided [hbm:s22@s6], $0x40, s5, $0x10   }
0xdf: {  	[spmem:s15@s6], [sflag:s16] =	dma.strided [hbm:s17@s6], $0x40, s5, $0x10   }
0xe0: {  	s22 =	sadd.s32 $0x2F0000, s3;
	s23 =	simm.s32 $0xA70;
	s17 =	simm.s32 $0xC00  }
0xe1: {  	[spmem:s18@s6], [sflag:s16] =	dma.strided [hbm:s24@s6], $0x40, s5, $0x10   }
0xe2: {  	[spmem:s26@s6], [sflag:s16] =	dma.strided [hbm:s25@s6], $0x40, s5, $0x10   }
0xe3: {  	s18 =	sadd.s32 $0x2D0000, s3;
	s24 =	sadd.s32 $0x310000, s3;
	s25 =	sadd.s32 $0x320000, s3  }
0xe4: {  	[spmem:s29@s6], [sflag:s16] =	dma.strided [hbm:s28@s6], $0x40, s5, $0x10   }
0xe5: {  	s26 =	simm.s32 $0xC20;
	s28 =	sadd.s32 $0x330000, s3;
	s29 =	simm.s32 $0xC30  }
0xe6: {  	[spmem:s31@s6], [sflag:s16] =	dma.strided [hbm:s30@s6], $0x40, s5, $0x10   }
0xe7: {  	[spmem:s19@s6], [sflag:s16] =	dma.strided [hbm:s18@s6], $0x40, s5, $0x10   }
0xe8: {  	s30 =	sadd.s32 $0x340000, s3;
	s31 =	simm.s32 $0xC40;
	s19 =	sadd.s32 $0x300000, s3  }
0xe9: {  	[spmem:s21@s6], [sflag:s16] =	dma.strided [hbm:s20@s6], $0x40, s5, $0x10   }
0xea: {  	s18 =	simm.s32 $0xF;
	s20 =	simm.s32 $0xC10;
	s21 =	sadd.s32 $0x350000, s3  }
0xeb: {  	[spmem:s23@s6], [sflag:s16] =	dma.strided [hbm:s22@s6], $0x40, s5, $0x10   }
0xec: {  	[spmem:s17@s6], [sflag:s18] =	dma.strided [hbm:s19@s6], $0x40, s5, $0x10   }
0xed: {  	[spmem:s20@s6], [sflag:s18] =	dma.strided [hbm:s24@s6], $0x40, s5, $0x10   }
0xee: {  	s22 =	simm.s32 $0xC50;
	s23 =	sadd.s32 $0x360000, s3;
	s24 =	simm.s32 $0xC60  }
0xef: {  	[spmem:s26@s6], [sflag:s18] =	dma.strided [hbm:s25@s6], $0x40, s5, $0x10   }
0xf0: {  	s20 =	simm.s32 $0xE00;
	s25 =	sadd.s32 $0x370000, s3;
	s26 =	simm.s32 $0xC70  }
0xf1: {  	[spmem:s29@s6], [sflag:s18] =	dma.strided [hbm:s28@s6], $0x40, s5, $0x10   }
0xf2: {  	[spmem:s31@s6], [sflag:s18] =	dma.strided [hbm:s30@s6], $0x40, s5, $0x10   }
0xf3: {  	s28 =	sadd.s32 $0x380000, s3;
	s29 =	sadd.s32 $0x390000, s3;
	s30 =	sadd.s32 $0x3A0000, s3  }
0xf4: {  	[spmem:s22@s6], [sflag:s18] =	dma.strided [hbm:s21@s6], $0x40, s5, $0x10   }
0xf5: {  	s31 =	simm.s32 $0xE20;
	s21 =	simm.s32 $0xE10;
	s22 =	sadd.s32 $0x3B0000, s3  }
0xf6: {  	[spmem:s24@s6], [sflag:s18] =	dma.strided [hbm:s23@s6], $0x40, s5, $0x10   }
0xf7: {  	[spmem:s26@s6], [sflag:s18] =	dma.strided [hbm:s25@s6], $0x40, s5, $0x10   }
0xf8: {  	s23 =	simm.s32 $0xE30;
	s24 =	sadd.s32 $0x3C0000, s3;
	s25 =	simm.s32 $0xE40  }
0xf9: {  	[spmem:s20@s6], [sflag:s1] =	dma.strided [hbm:s28@s6], $0x40, s5, $0x10   }
0xfa: {  	[spmem:s21@s6], [sflag:s1] =	dma.strided [hbm:s29@s6], $0x40, s5, $0x10   }
0xfb: {  	s26 =	sadd.s32 $0x3D0000, s3;
	s28 =	simm.s32 $0xE50;
	s29 =	sadd.s32 $0x3E0000, s3  }
0xfc: {  	[spmem:s31@s6], [sflag:s1] =	dma.strided [hbm:s30@s6], $0x40, s5, $0x10   }
0xfd: {  	s3 =	sadd.s32 $0x3F0000, s3;
	s30 =	simm.s32 $0xE60;
	s31 =	simm.s32 $0xE70  }
0xfe: {  	[spmem:s23@s6], [sflag:s1] =	dma.strided [hbm:s22@s6], $0x40, s5, $0x10   }
0xff: {  	[spmem:s25@s6], [sflag:s1] =	dma.strided [hbm:s24@s6], $0x40, s5, $0x10   }
0x100: {  	[spmem:s28@s6], [sflag:s1] =	dma.strided [hbm:s26@s6], $0x40, s5, $0x10   }
0x101: {  	[spmem:s30@s6], [sflag:s1] =	dma.strided [hbm:s29@s6], $0x40, s5, $0x10   }
0x102: {  	[spmem:s31@s6], [sflag:s1] =	dma.strided [hbm:s3@s6], $0x40, s5, $0x10   }
0x103: {  	_ =	swait.ge [sflag:s4], $0x200  }
0x104: {  	[sflag:s4] =	ssyncset.done $0x0  }
0x105: {  	[sflag:s4] =	ssyncadd.s32 $0xFFFFFE00  }
0x106: {  	s19 =	simm.s32 $0x11  }
0x107: {  	[hbm:s0], [sflag:s19] =	dma.local [spmem:s2], $0x200  }
0x108: {  	_ =	swait.ge [sflag:s8], $0x200  }
0x109: {  	[sflag:s8] =	ssyncset.done $0x0  }
0x10a: {  	[sflag:s8] =	ssyncadd.s32 $0xFFFFFE00  }
0x10b: {  	s21 =	sadd.s32 $0x200, s0  }
0x10c: {  	[hbm:s21], [sflag:s19] =	dma.local [spmem:s7], $0x200  }
0x10d: {  	_ =	swait.ge [sflag:s10], $0x200  }
0x10e: {  	[sflag:s10] =	ssyncset.done $0x0  }
0x10f: {  	[sflag:s10] =	ssyncadd.s32 $0xFFFFFE00  }
0x110: {  	s22 =	sadd.s32 $0x400, s0  }
0x111: {  	[hbm:s22], [sflag:s19] =	dma.local [spmem:s9], $0x200  }
0x112: {  	_ =	swait.ge [sflag:s12], $0x200  }
0x113: {  	[sflag:s12] =	ssyncset.done $0x0  }
0x114: {  	[sflag:s12] =	ssyncadd.s32 $0xFFFFFE00  }
0x115: {  	s23 =	sadd.s32 $0x600, s0  }
0x116: {  	[hbm:s23], [sflag:s19] =	dma.local [spmem:s11], $0x200  }
0x117: {  	_ =	swait.ge [sflag:s14], $0x200  }
0x118: {  	[sflag:s14] =	ssyncset.done $0x0  }
0x119: {  	[sflag:s14] =	ssyncadd.s32 $0xFFFFFE00  }
0x11a: {  	s24 =	sadd.s32 $0x800, s0  }
0x11b: {  	[hbm:s24], [sflag:s19] =	dma.local [spmem:s13], $0x200  }
0x11c: {  	_ =	swait.ge [sflag:s16], $0x200  }
0x11d: {  	[sflag:s16] =	ssyncset.done $0x0  }
0x11e: {  	[sflag:s16] =	ssyncadd.s32 $0xFFFFFE00  }
0x11f: {  	s25 =	sadd.s32 $0xA00, s0  }
0x120: {  	[hbm:s25], [sflag:s19] =	dma.local [spmem:s15], $0x200  }
0x121: {  	_ =	swait.ge [sflag:s18], $0x200  }
0x122: {  	[sflag:s18] =	ssyncset.done $0x0  }
0x123: {  	[sflag:s18] =	ssyncadd.s32 $0xFFFFFE00  }
0x124: {  	s26 =	sadd.s32 $0xC00, s0  }
0x125: {  	[hbm:s26], [sflag:s19] =	dma.local [spmem:s17], $0x200  }
0x126: {  	_ =	swait.ge [sflag:s1], $0x200  }
0x127: {  	[sflag:s1] =	ssyncset.done $0x0  }
0x128: {  	[sflag:s1] =	ssyncadd.s32 $0xFFFFFE00  }
0x129: {  	s0 =	sadd.s32 $0xE00, s0  }
0x12a: {  	[hbm:s0], [sflag:s19] =	dma.local [spmem:s20], $0x200  }
0x12b: {  	_ =	swait.ge [sflag:s19], $0x1000  }
0x12c: {  	[sflag:s19] =	ssyncset.done $0x0  }
0x12d: {  	[sflag:s19] =	ssyncadd.s32 $0xFFFFF000  }
0x12e: {  	_ =	strace $0x90000046  }
0x12f: {  	_ =	sfence  }
0x130: {  	s28 =	sld [smem:$0x0];
	_ =	sdelay $0x1  }
0x131: {  	s29 =	srdreg.scid  }
0x132: {  	s30 =	sshll.u32 s29, $0xD;
	s31 =	sshrl.u32 s29, $0x2  }
0x133: {  	s2 =	sand.u32 $0x4000, s30;
	s1 =	sand.u32 $0x1, s29;
	s0 =	sadd.s32 s31, s28  }
0x134: {  	s1 =	sor.u32 s2, s1;
	s0 =	sshll.u32 s0, $0x11  }
0x135: {  	s0 =	sor.u32 s0, s1  }
0x136: {  	s0 =	sadd.s32 $0x8F2B, s0;
	(pc) =	sbr.abs _section_cstart, $3  }
0x137: {  	[sflag:s0] =	ssyncadd.remote.s32 $0x1  }
0x138: {  	_ =	strace $0x9FFFFFFF  }
0x139: {  	(tm) =	ssettm $0x7FFFFFFF  }

</sc_bundles>
